<compile_context>
chip_gen: v7x
topology: tpu7x:2x2x1
jax: 0.10.2.dev20260603
libtpu: 0.0.44.dev20260713+nightly
codegen_flags: <defaults>
</compile_context>

<pallas_src>
import dataclasses
import functools

import numpy as np
import jax
import jax.numpy as jnp
from jax import lax
from jax.experimental import pallas as pl
from jax.experimental.pallas import tpu as pltpu
from jax.experimental.pallas import tpu_sc as plsc

_BOUND = 0.9
_BIN = 0.001
_KW = 0.02
_ND = 16
_EPS = 0.001
_NT = 1000
_EPS_SQ = _EPS * _EPS
_S = 1.0 / (_ND - 1) + _EPS
_N = 1000000

def _conv_consts():
    slope = 0.5 * _KW / _BIN
    half = np.arange(1.0, 0.0, -1.0 / slope)
    k = np.concatenate([half[::-1], half[1:]])
    k = (k / k.sum()).astype(np.float32)
    ones = np.ones((_NT,), np.float32)
    conv_ones = np.convolve(ones, k, mode="same").astype(np.float32)
    return k, conv_ones

_KVEC, _CONV_ONES = _conv_consts()
_KLEN = _KVEC.shape[0]
_PAD = (_KLEN - 1) // 2

_TBL = (_ND + 2) * _NT

def _tc_table_body(m_ref, co_ref, o_ref):
    m = _BOUND * jnp.tanh(m_ref[...])
    z = jnp.zeros((_ND, _PAD), jnp.float32)
    mp = jnp.concatenate([z, m, z], axis=1)
    acc = _KVEC[0] * lax.slice(mp, (0, 0), (_ND, _NT))
    for k in range(1, _KLEN):
        acc = acc + _KVEC[k] * lax.slice(mp, (0, k), (_ND, _NT + k))
    sm = acc / co_ref[...]
    sm = sm - jnp.mean(sm, axis=1, keepdims=True)
    zrow = jnp.zeros((1, _NT), jnp.float32)
    o_ref[...] = jnp.concatenate([zrow, sm, zrow], axis=0)


def _tc_table(motion):
    return pl.pallas_call(
        _tc_table_body,
        out_shape=jax.ShapeDtypeStruct((_ND + 2, _NT), jnp.float32),
    )(motion, jnp.asarray(_CONV_ONES)[None, :])


_CH = 4096
_NFULL = _N // _CH
_TAILN = _N - _NFULL * _CH
_MAXCH = -(-_NFULL // 32)

_C15 = np.float32(1.0) / np.float32(15.0)
_F_S = np.float32(_S)
_F_EPS = np.float32(_EPS)
_F_EPS_SQ = np.float32(_EPS_SQ)
_CP2_OFF = _C15 - _F_EPS
_INV_BIN = np.float32(1.0) / np.float32(_BIN)
_DEN0 = _F_EPS_SQ + (_F_S + _F_EPS)
_INV_DEN0 = np.float32(1.0) / _DEN0
_C15_SC = _C15 * _INV_DEN0
_S_SC = _F_S * _INV_DEN0
_EPS_SC = _F_EPS * _INV_DEN0
_CP2_OFF_SC = _CP2_OFF * _INV_DEN0


def _sc_compute_vec(tbl_v, t_v, d_v, o_v, i):
    t = t_v[pl.ds(i, 16)]
    d = d_v[pl.ds(i, 16)]
    bin_ = (t * _INV_BIN).astype(jnp.int32)
    u = d * np.float32(15.0)
    d0 = u.astype(jnp.int32)
    frac = u - d0.astype(jnp.float32)
    f15 = frac * _C15_SC
    c0 = _S_SC - f15
    cp = _EPS_SC + f15
    cm = jnp.maximum(_EPS_SC - f15, np.float32(0.0))
    cp2 = jnp.maximum(f15 - _CP2_OFF_SC, np.float32(0.0))
    base = d0 * 1000 + bin_
    gm = plsc.load_gather(tbl_v, [base])
    g0 = plsc.load_gather(tbl_v.at[pl.ds(1000, 17000)], [base])
    gp = plsc.load_gather(tbl_v.at[pl.ds(2000, 16000)], [base])
    gp2 = plsc.load_gather(tbl_v.at[pl.ds(3000, 15000)], [base])
    o_v[pl.ds(i, 16)] = (c0 * g0 + cp * gp) + (cm * gm + cp2 * gp2)


def _sc_pred(table_flat, times, depths):
    mesh = plsc.VectorSubcoreMesh(core_axis_name="c", subcore_axis_name="s")
    cp = pltpu.CompilerParams()
    if "needs_layout_passes" in pltpu.CompilerParams.__dataclass_fields__:
        cp = dataclasses.replace(cp, needs_layout_passes=False)

    @functools.partial(
        pl.kernel,
        out_type=jax.ShapeDtypeStruct((_N,), jnp.float32),
        mesh=mesh,
        compiler_params=cp,
        scratch_types=[
            pltpu.VMEM((_TBL,), jnp.float32),
            pltpu.VMEM((_CH,), jnp.float32),
            pltpu.VMEM((_CH,), jnp.float32),
            pltpu.VMEM((_CH,), jnp.float32),
            pltpu.VMEM((_CH,), jnp.float32),
            pltpu.VMEM((_CH,), jnp.float32),
            pltpu.VMEM((_CH,), jnp.float32),
            pltpu.SemaphoreType.DMA,
            pltpu.SemaphoreType.DMA,
            pltpu.SemaphoreType.DMA,
            pltpu.SemaphoreType.DMA,
            pltpu.SemaphoreType.DMA,
            pltpu.SemaphoreType.DMA,
            pltpu.SemaphoreType.DMA,
        ],
    )
    def k(tbl_hbm, t_hbm, d_hbm, o_hbm, tbl_v,
          t0, d0, o0, t1, d1, o1, ts0, ds0, os0, ts1, ds1, os1, tbsem):
        w = lax.axis_index("s") * 2 + lax.axis_index("c")
        tbl_cp = pltpu.make_async_copy(tbl_hbm, tbl_v, tbsem)
        tbl_cp.start()
        n_c = jnp.where(w < _NFULL % 32, _NFULL // 32 + 1, _NFULL // 32)

        def cbase(ci):
            return (ci * 32 + w) * _CH

        def in_start(ci, tb, db, tsem, dsem):
            b = cbase(ci)
            pltpu.make_async_copy(t_hbm.at[pl.ds(b, _CH)], tb, tsem).start()
            pltpu.make_async_copy(d_hbm.at[pl.ds(b, _CH)], db, dsem).start()

        def in_wait(ci, tb, db, tsem, dsem):
            b = cbase(ci)
            pltpu.make_async_copy(t_hbm.at[pl.ds(b, _CH)], tb, tsem).wait()
            pltpu.make_async_copy(d_hbm.at[pl.ds(b, _CH)], db, dsem).wait()

        def out_wait(ci, ob, osem):
            b = cbase(ci)
            pltpu.make_async_copy(ob, o_hbm.at[pl.ds(b, _CH)], osem).wait()

        in_start(0, t0, d0, ts0, ds0)
        in_start(1, t1, d1, ts1, ds1)
        tbl_cp.wait()

        def step(ci, tb, db, ob, tsem, dsem, osem):
            @pl.when(ci < n_c)
            def _():
                in_wait(ci, tb, db, tsem, dsem)

                @pl.when(ci >= 2)
                def _():
                    out_wait(ci - 2, ob, osem)

                @plsc.parallel_loop(0, _CH, step=16, unroll=8)
                def _(i):
                    _sc_compute_vec(tbl_v, tb, db, ob, i)

                pltpu.make_async_copy(
                    ob, o_hbm.at[pl.ds(cbase(ci), _CH)], osem).start()

                @pl.when(ci + 2 < n_c)
                def _():
                    in_start(ci + 2, tb, db, tsem, dsem)

        @pl.loop(0, _MAXCH, step=2)
        def _(ci0):
            step(ci0, t0, d0, o0, ts0, ds0, os0)
            step(ci0 + 1, t1, d1, o1, ts1, ds1, os1)

        _q = _NFULL // 32
        out_wait(_q - 1, o0, os0)
        out_wait(jnp.where(n_c == _q + 1, _q, _q - 2), o1, os1)

        @pl.when(w == 31)
        def _():
            b = _NFULL * _CH
            pltpu.sync_copy(t_hbm.at[pl.ds(b, _TAILN)], t0.at[pl.ds(0, _TAILN)])
            pltpu.sync_copy(d_hbm.at[pl.ds(b, _TAILN)], d0.at[pl.ds(0, _TAILN)])

            @plsc.parallel_loop(0, _TAILN, step=16, unroll=8)
            def _(i):
                _sc_compute_vec(tbl_v, t0, d0, o0, i)

            pltpu.sync_copy(o0.at[pl.ds(0, _TAILN)], o_hbm.at[pl.ds(b, _TAILN)])

    return k(table_flat, times, depths)


def kernel(times, depths, motion):
    table = _tc_table(motion).reshape((_TBL,))
    return _sc_pred(table, times, depths)

# --- scband reference (transcript-rebuilt; emitter-appended) ---
"""Pipeline reference for scband-motion-function-65558380806318 (READ-ONLY COPY).

The authoritative reference and input builder live on the scoring server;
editing this copy changes nothing except your own understanding.
"""

import math
import jax, jax.numpy as jnp
import numpy as np

BOUND = 0.9
T0, T1 = 0.0, 1.0
BIN = 0.001
KW = 0.02
NUM_DEPTH = 16
EPS = 0.001
NUM_T = math.ceil((T1 - T0) / BIN)
EPS_SQ = EPS * EPS
DEPTH_SMOOTHING = 1.0 / max(1, NUM_DEPTH - 1) + EPS
N = 1000000


def _get_kernel():
    kernel_slope = 0.5 * KW / BIN
    half_kernel = np.arange(1.0, 0.0, -1.0 / kernel_slope)
    kernel = np.concatenate([half_kernel[::-1], half_kernel[1:]])
    kernel /= np.sum(kernel)
    return jnp.asarray(kernel.astype(np.float32))


def setup_inputs(seed: int = 0) -> dict:
    key = jax.random.key(seed)
    k1, k2, k3 = jax.random.split(key, 3)
    times = jax.random.uniform(k1, (N,), dtype=jnp.float32)
    depths = jax.random.uniform(k2, (N,), dtype=jnp.float32)
    # learned parameter (torch init is zeros; use small randn so outputs are nontrivial)
    motion = 0.1 * jax.random.normal(k3, (NUM_DEPTH, NUM_T), dtype=jnp.float32)
    return {"times": times, "depths": depths, "motion": motion}


def reference(times, depths, motion):
    kernel = _get_kernel()
    # smooth_motion property
    m = BOUND * jnp.tanh(motion)
    sm = jax.vmap(lambda r: jnp.convolve(r, kernel, mode='same'))(m)
    conv_ones = jnp.convolve(jnp.ones((NUM_T,), dtype=jnp.float32), kernel, mode='same')
    sm = sm / conv_ones
    sm = sm - jax.lax.stop_gradient(jnp.mean(sm, axis=1, keepdims=True))
    # forward
    time_bins = jnp.floor((times - T0) / BIN)
    time_bins = jax.lax.stop_gradient(time_bins).astype(jnp.int64)
    pred_motions = sm[:, time_bins]  # [NUM_DEPTH, N] gather
    depth_levels = jnp.linspace(0.0, 1.0, NUM_DEPTH).astype(jnp.float32)
    diffs = jnp.abs(depths[None, :] - depth_levels[:, None])
    coeffs = jax.nn.relu(DEPTH_SMOOTHING - diffs)
    coeffs = coeffs / (EPS_SQ + jnp.sum(coeffs, axis=0, keepdims=True))
    pred = jnp.sum(pred_motions * coeffs, axis=0)
    return pred

if __name__ == "__main__":
    import jax
    _d = setup_inputs()
    print(jax.jit(kernel)(*tuple(_d.values())))

</pallas_src>

<mosaic_0001>
#map = affine_map<(d0, d1) -> (0)>
module attributes {stable_mosaic.version = 14 : i64} {
  func.func @k(%arg0: i32, %arg1: i32, %arg2: memref<18000xf32, #tpu.memory_space<hbm>>, %arg3: memref<1000000xf32, #tpu.memory_space<hbm>>, %arg4: memref<1000000xf32, #tpu.memory_space<hbm>>, %arg5: memref<1000000xf32, #tpu.memory_space<hbm>>, %arg6: memref<18000xf32, #tpu.memory_space<vmem>>, %arg7: memref<4096xf32, #tpu.memory_space<vmem>>, %arg8: memref<4096xf32, #tpu.memory_space<vmem>>, %arg9: memref<4096xf32, #tpu.memory_space<vmem>>, %arg10: memref<4096xf32, #tpu.memory_space<vmem>>, %arg11: memref<4096xf32, #tpu.memory_space<vmem>>, %arg12: memref<4096xf32, #tpu.memory_space<vmem>>, %arg13: memref<!tpu.dma_semaphore, #tpu.memory_space<semaphore_mem>>, %arg14: memref<!tpu.dma_semaphore, #tpu.memory_space<semaphore_mem>>, %arg15: memref<!tpu.dma_semaphore, #tpu.memory_space<semaphore_mem>>, %arg16: memref<!tpu.dma_semaphore, #tpu.memory_space<semaphore_mem>>, %arg17: memref<!tpu.dma_semaphore, #tpu.memory_space<semaphore_mem>>, %arg18: memref<!tpu.dma_semaphore, #tpu.memory_space<semaphore_mem>>, %arg19: memref<!tpu.dma_semaphore, #tpu.memory_space<semaphore_mem>>) attributes {dimension_semantics = [#tpu.dimension_semantics<core_parallel>, #tpu.dimension_semantics<subcore_parallel>], iteration_bounds = array<i64: 2, 16>, scalar_prefetch = 0 : i64, scratch_operands = 14 : i64, tpu.core_type = #tpu.core_type<sc_vector_subcore>, window_params = [{transform_indices = #map}, {transform_indices = #map}, {transform_indices = #map}, {transform_indices = #map}]} {
    %mul3A = arith.constant 2 : i32
    %mul3A_0 = arith.muli %arg1, %mul3A : i32
    %add3A = arith.addi %mul3A_0, %arg0 : i32
    tpu.enqueue_dma source(%arg2 : memref<18000xf32, #tpu.memory_space<hbm>>) target(%arg6 : memref<18000xf32, #tpu.memory_space<vmem>>) target_semaphore(%arg19 : memref<!tpu.dma_semaphore, #tpu.memory_space<semaphore_mem>>)
    %lt3A = arith.constant 20 : i32
    %lt3A_1 = arith.cmpi slt, %add3A, %lt3A : i32
    %jit3A = arith.constant 8 : i32
    %jit3A_2 = arith.constant 7 : i32
    %select_n3A = arith.select %lt3A_1, %jit3A, %jit3A_2 : i32
    %add3A_3 = arith.constant 0 : i32
    %add3A_4 = arith.addi %add3A_3, %add3A : i32
    %mul3A_5 = arith.constant 4096 : i32
    %mul3A_6 = arith.muli %add3A_4, %mul3A_5 : i32
    %dma_start3A = tpu.memref_slice %arg3[%mul3A_6] : memref<1000000xf32, #tpu.memory_space<hbm>> -> memref<4096xf32, #tpu.memory_space<hbm>>
    %dma_start3A_7 = tpu.memref_slice %arg3[%mul3A_6] : memref<1000000xf32, #tpu.memory_space<hbm>> -> memref<4096xf32, #tpu.memory_space<hbm>>
    tpu.enqueue_dma source(%dma_start3A_7 : memref<4096xf32, #tpu.memory_space<hbm>>) target(%arg7 : memref<4096xf32, #tpu.memory_space<vmem>>) target_semaphore(%arg13 : memref<!tpu.dma_semaphore, #tpu.memory_space<semaphore_mem>>)
    %dma_start3A_8 = tpu.memref_slice %arg4[%mul3A_6] : memref<1000000xf32, #tpu.memory_space<hbm>> -> memref<4096xf32, #tpu.memory_space<hbm>>
    %dma_start3A_9 = tpu.memref_slice %arg4[%mul3A_6] : memref<1000000xf32, #tpu.memory_space<hbm>> -> memref<4096xf32, #tpu.memory_space<hbm>>
    tpu.enqueue_dma source(%dma_start3A_9 : memref<4096xf32, #tpu.memory_space<hbm>>) target(%arg8 : memref<4096xf32, #tpu.memory_space<vmem>>) target_semaphore(%arg14 : memref<!tpu.dma_semaphore, #tpu.memory_space<semaphore_mem>>)
    %add3A_10 = arith.constant 32 : i32
    %add3A_11 = arith.addi %add3A_10, %add3A : i32
    %mul3A_12 = arith.constant 4096 : i32
    %mul3A_13 = arith.muli %add3A_11, %mul3A_12 : i32
    %dma_start3A_14 = tpu.memref_slice %arg3[%mul3A_13] : memref<1000000xf32, #tpu.memory_space<hbm>> -> memref<4096xf32, #tpu.memory_space<hbm>>
    %dma_start3A_15 = tpu.memref_slice %arg3[%mul3A_13] : memref<1000000xf32, #tpu.memory_space<hbm>> -> memref<4096xf32, #tpu.memory_space<hbm>>
    tpu.enqueue_dma source(%dma_start3A_15 : memref<4096xf32, #tpu.memory_space<hbm>>) target(%arg10 : memref<4096xf32, #tpu.memory_space<vmem>>) target_semaphore(%arg16 : memref<!tpu.dma_semaphore, #tpu.memory_space<semaphore_mem>>)
    %dma_start3A_16 = tpu.memref_slice %arg4[%mul3A_13] : memref<1000000xf32, #tpu.memory_space<hbm>> -> memref<4096xf32, #tpu.memory_space<hbm>>
    %dma_start3A_17 = tpu.memref_slice %arg4[%mul3A_13] : memref<1000000xf32, #tpu.memory_space<hbm>> -> memref<4096xf32, #tpu.memory_space<hbm>>
    tpu.enqueue_dma source(%dma_start3A_17 : memref<4096xf32, #tpu.memory_space<hbm>>) target(%arg11 : memref<4096xf32, #tpu.memory_space<vmem>>) target_semaphore(%arg17 : memref<!tpu.dma_semaphore, #tpu.memory_space<semaphore_mem>>)
    tpu.wait_dma2 semaphore(%arg19 : memref<!tpu.dma_semaphore, #tpu.memory_space<semaphore_mem>>) src(%arg2 : memref<18000xf32, #tpu.memory_space<hbm>>) dst(%arg6 : memref<18000xf32, #tpu.memory_space<vmem>>)
    %scan3A = arith.constant 0 : i32
    %scan3A_18 = arith.constant 4 : i32
    %scan3A_19 = arith.addi %scan3A, %scan3A_18 : i32
    %scan3A_20 = arith.constant 1 : i32
    scf.for %scan3A_41 = %scan3A to %scan3A_19 step %scan3A_20  : i32 {
      %mul3A_42 = arith.constant 2 : i32
      %mul3A_43 = arith.muli %scan3A_41, %mul3A_42 : i32
      %add3A_44 = arith.constant 0 : i32
      %add3A_45 = arith.addi %add3A_44, %mul3A_43 : i32
      %lt3A_46 = arith.cmpi slt, %add3A_45, %select_n3A : i32
      %convert_element_type3A_47 = arith.extui %lt3A_46 : i1 to i32
      %cond3A_48 = arith.constant 0 : i32
      %cond3A_49 = arith.cmpi ne, %convert_element_type3A_47, %cond3A_48 : i32
      scf.if %cond3A_49 {
        %mul3A_56 = arith.constant 32 : i32
        %mul3A_57 = arith.muli %add3A_45, %mul3A_56 : i32
        %add3A_58 = arith.addi %mul3A_57, %add3A : i32
        %mul3A_59 = arith.constant 4096 : i32
        %mul3A_60 = arith.muli %add3A_58, %mul3A_59 : i32
        %dma_wait3A_61 = tpu.memref_slice %arg3[%mul3A_60] : memref<1000000xf32, #tpu.memory_space<hbm>> -> memref<4096xf32, #tpu.memory_space<hbm>>
        %dma_wait3A_62 = tpu.memref_slice %arg3[%mul3A_60] : memref<1000000xf32, #tpu.memory_space<hbm>> -> memref<4096xf32, #tpu.memory_space<hbm>>
        tpu.wait_dma2 semaphore(%arg13 : memref<!tpu.dma_semaphore, #tpu.memory_space<semaphore_mem>>) src(%dma_wait3A_62 : memref<4096xf32, #tpu.memory_space<hbm>>) dst(%arg7 : memref<4096xf32, #tpu.memory_space<vmem>>)
        %dma_wait3A_63 = tpu.memref_slice %arg4[%mul3A_60] : memref<1000000xf32, #tpu.memory_space<hbm>> -> memref<4096xf32, #tpu.memory_space<hbm>>
        %dma_wait3A_64 = tpu.memref_slice %arg4[%mul3A_60] : memref<1000000xf32, #tpu.memory_space<hbm>> -> memref<4096xf32, #tpu.memory_space<hbm>>
        tpu.wait_dma2 semaphore(%arg14 : memref<!tpu.dma_semaphore, #tpu.memory_space<semaphore_mem>>) src(%dma_wait3A_64 : memref<4096xf32, #tpu.memory_space<hbm>>) dst(%arg8 : memref<4096xf32, #tpu.memory_space<vmem>>)
        %ge3A = arith.constant 2 : i32
        %ge3A_65 = arith.cmpi sge, %add3A_45, %ge3A : i32
        %convert_element_type3A_66 = arith.extui %ge3A_65 : i1 to i32
        %cond3A_67 = arith.constant 0 : i32
        %cond3A_68 = arith.cmpi ne, %convert_element_type3A_66, %cond3A_67 : i32
        scf.if %cond3A_68 {
          %sub3A = arith.constant 2 : i32
          %sub3A_84 = arith.subi %add3A_45, %sub3A : i32
          %mul3A_85 = arith.constant 32 : i32
          %mul3A_86 = arith.muli %sub3A_84, %mul3A_85 : i32
          %add3A_87 = arith.addi %mul3A_86, %add3A : i32
          %mul3A_88 = arith.constant 4096 : i32
          %mul3A_89 = arith.muli %add3A_87, %mul3A_88 : i32
          %dma_wait3A_90 = tpu.memref_slice %arg5[%mul3A_89] : memref<1000000xf32, #tpu.memory_space<hbm>> -> memref<4096xf32, #tpu.memory_space<hbm>>
          %dma_wait3A_91 = tpu.memref_slice %arg5[%mul3A_89] : memref<1000000xf32, #tpu.memory_space<hbm>> -> memref<4096xf32, #tpu.memory_space<hbm>>
          tpu.wait_dma2 semaphore(%arg15 : memref<!tpu.dma_semaphore, #tpu.memory_space<semaphore_mem>>) src(%arg9 : memref<4096xf32, #tpu.memory_space<vmem>>) dst(%dma_wait3A_91 : memref<4096xf32, #tpu.memory_space<hbm>>)
        } else {
        }
        %parallel_loop3A = arith.constant 0 : i32
        %parallel_loop3A_69 = arith.constant 4096 : i32
        %parallel_loop3A_70 = arith.constant 16 : i32
        scf.for %parallel_loop3A_84 = %parallel_loop3A to %parallel_loop3A_69 step %parallel_loop3A_70  : i32 {
          %parallel_loop3A_85 = arith.index_cast %parallel_loop3A_84 : i32 to index
          %parallel_loop3A_86 = tpu.vector_load %arg7[%parallel_loop3A_85] {strides = array<i32>} : memref<4096xf32, #tpu.memory_space<vmem>>, vector<16xf32>,
          %parallel_loop3A_87 = arith.index_cast %parallel_loop3A_84 : i32 to index
          %parallel_loop3A_88 = tpu.vector_load %arg8[%parallel_loop3A_87] {strides = array<i32>} : memref<4096xf32, #tpu.memory_space<vmem>>, vector<16xf32>,
          %parallel_loop3A_89 = arith.constant 999.999938 : f32
          %parallel_loop3A_90 = vector.broadcast %parallel_loop3A_89 : f32 to vector<16xf32>
          %parallel_loop3A_91 = arith.mulf %parallel_loop3A_86, %parallel_loop3A_90 : vector<16xf32>
          %parallel_loop3A_92 = arith.fptosi %parallel_loop3A_91 : vector<16xf32> to vector<16xi32>
          %parallel_loop3A_93 = arith.constant 1.500000e+01 : f32
          %parallel_loop3A_94 = vector.broadcast %parallel_loop3A_93 : f32 to vector<16xf32>
          %parallel_loop3A_95 = arith.mulf %parallel_loop3A_88, %parallel_loop3A_94 : vector<16xf32>
          %parallel_loop3A_96 = arith.fptosi %parallel_loop3A_95 : vector<16xf32> to vector<16xi32>
          %parallel_loop3A_97 = arith.sitofp %parallel_loop3A_96 : vector<16xi32> to vector<16xf32>
          %parallel_loop3A_98 = arith.subf %parallel_loop3A_95, %parallel_loop3A_97 : vector<16xf32>
          %parallel_loop3A_99 = arith.constant 0.970859706 : f32
          %parallel_loop3A_100 = vector.broadcast %parallel_loop3A_99 : f32 to vector<16xf32>
          %parallel_loop3A_101 = arith.mulf %parallel_loop3A_98, %parallel_loop3A_100 : vector<16xf32>
          %parallel_loop3A_102 = arith.constant 0.985422492 : f32
          %parallel_loop3A_103 = vector.broadcast %parallel_loop3A_102 : f32 to vector<16xf32>
          %parallel_loop3A_104 = arith.subf %parallel_loop3A_103, %parallel_loop3A_101 : vector<16xf32>
          %parallel_loop3A_105 = arith.constant 0.0145628955 : f32
          %parallel_loop3A_106 = vector.broadcast %parallel_loop3A_105 : f32 to vector<16xf32>
          %parallel_loop3A_107 = arith.addf %parallel_loop3A_106, %parallel_loop3A_101 : vector<16xf32>
          %parallel_loop3A_108 = arith.constant 0.0145628955 : f32
          %parallel_loop3A_109 = vector.broadcast %parallel_loop3A_108 : f32 to vector<16xf32>
          %parallel_loop3A_110 = arith.subf %parallel_loop3A_109, %parallel_loop3A_101 : vector<16xf32>
          %parallel_loop3A_111 = arith.constant 0.000000e+00 : f32
          %parallel_loop3A_112 = vector.broadcast %parallel_loop3A_111 : f32 to vector<16xf32>
          %parallel_loop3A_113 = arith.maximumf %parallel_loop3A_110, %parallel_loop3A_112 : vector<16xf32>
          %parallel_loop3A_114 = arith.constant 0.956296801 : f32
          %parallel_loop3A_115 = vector.broadcast %parallel_loop3A_114 : f32 to vector<16xf32>
          %parallel_loop3A_116 = arith.subf %parallel_loop3A_101, %parallel_loop3A_115 : vector<16xf32>
          %parallel_loop3A_117 = arith.constant 0.000000e+00 : f32
          %parallel_loop3A_118 = vector.broadcast %parallel_loop3A_117 : f32 to vector<16xf32>
          %parallel_loop3A_119 = arith.maximumf %parallel_loop3A_116, %parallel_loop3A_118 : vector<16xf32>
          %parallel_loop3A_120 = arith.constant 1000 : i32
          %parallel_loop3A_121 = vector.broadcast %parallel_loop3A_120 : i32 to vector<16xi32>
          %parallel_loop3A_122 = arith.muli %parallel_loop3A_96, %parallel_loop3A_121 : vector<16xi32>
          %parallel_loop3A_123 = arith.addi %parallel_loop3A_122, %parallel_loop3A_92 : vector<16xi32>
          %parallel_loop3A_124 = tpu.vector_load_idx %arg6[%parallel_loop3A_123] : memref<18000xf32, #tpu.memory_space<vmem>>[vector<16xi32>], vector<16xf32>,
          %parallel_loop3A_125 = arith.constant 1000 : i32
          %parallel_loop3A_126 = tpu.memref_slice %arg6[%parallel_loop3A_125] : memref<18000xf32, #tpu.memory_space<vmem>> -> memref<17000xf32, #tpu.memory_space<vmem>>
          %parallel_loop3A_127 = tpu.vector_load_idx %parallel_loop3A_126[%parallel_loop3A_123] : memref<17000xf32, #tpu.memory_space<vmem>>[vector<16xi32>], vector<16xf32>,
          %parallel_loop3A_128 = arith.constant 2000 : i32
          %parallel_loop3A_129 = tpu.memref_slice %arg6[%parallel_loop3A_128] : memref<18000xf32, #tpu.memory_space<vmem>> -> memref<16000xf32, #tpu.memory_space<vmem>>
          %parallel_loop3A_130 = tpu.vector_load_idx %parallel_loop3A_129[%parallel_loop3A_123] : memref<16000xf32, #tpu.memory_space<vmem>>[vector<16xi32>], vector<16xf32>,
          %parallel_loop3A_131 = arith.constant 3000 : i32
          %parallel_loop3A_132 = tpu.memref_slice %arg6[%parallel_loop3A_131] : memref<18000xf32, #tpu.memory_space<vmem>> -> memref<15000xf32, #tpu.memory_space<vmem>>
          %parallel_loop3A_133 = tpu.vector_load_idx %parallel_loop3A_132[%parallel_loop3A_123] : memref<15000xf32, #tpu.memory_space<vmem>>[vector<16xi32>], vector<16xf32>,
          %parallel_loop3A_134 = arith.mulf %parallel_loop3A_104, %parallel_loop3A_127 : vector<16xf32>
          %parallel_loop3A_135 = arith.mulf %parallel_loop3A_107, %parallel_loop3A_130 : vector<16xf32>
          %parallel_loop3A_136 = arith.addf %parallel_loop3A_134, %parallel_loop3A_135 : vector<16xf32>
          %parallel_loop3A_137 = arith.mulf %parallel_loop3A_113, %parallel_loop3A_124 : vector<16xf32>
          %parallel_loop3A_138 = arith.mulf %parallel_loop3A_119, %parallel_loop3A_133 : vector<16xf32>
          %parallel_loop3A_139 = arith.addf %parallel_loop3A_137, %parallel_loop3A_138 : vector<16xf32>
          %parallel_loop3A_140 = arith.addf %parallel_loop3A_136, %parallel_loop3A_139 : vector<16xf32>
          %parallel_loop3A_141 = arith.index_cast %parallel_loop3A_84 : i32 to index
          %parallel_loop3A_142 = tpu.vector_load %arg9[%parallel_loop3A_141] {strides = array<i32>} : memref<4096xf32, #tpu.memory_space<vmem>>, vector<16xf32>,
          tpu.vector_store %arg9[%parallel_loop3A_141], %parallel_loop3A_140 {strides = array<i32>} : memref<4096xf32, #tpu.memory_space<vmem>>, vector<16xf32>,
        } {sc.loop_unroll_factor = 8 : i64, sc.parallel_access}
        %mul3A_71 = arith.constant 32 : i32
        %mul3A_72 = arith.muli %add3A_45, %mul3A_71 : i32
        %add3A_73 = arith.addi %mul3A_72, %add3A : i32
        %mul3A_74 = arith.constant 4096 : i32
        %mul3A_75 = arith.muli %add3A_73, %mul3A_74 : i32
        %dma_start3A_76 = tpu.memref_slice %arg5[%mul3A_75] : memref<1000000xf32, #tpu.memory_space<hbm>> -> memref<4096xf32, #tpu.memory_space<hbm>>
        %dma_start3A_77 = tpu.memref_slice %arg5[%mul3A_75] : memref<1000000xf32, #tpu.memory_space<hbm>> -> memref<4096xf32, #tpu.memory_space<hbm>>
        tpu.enqueue_dma source(%arg9 : memref<4096xf32, #tpu.memory_space<vmem>>) target(%dma_start3A_77 : memref<4096xf32, #tpu.memory_space<hbm>>) target_semaphore(%arg15 : memref<!tpu.dma_semaphore, #tpu.memory_space<semaphore_mem>>)
        %add3A_78 = arith.constant 2 : i32
        %add3A_79 = arith.addi %add3A_45, %add3A_78 : i32
        %lt3A_80 = arith.cmpi slt, %add3A_79, %select_n3A : i32
        %convert_element_type3A_81 = arith.extui %lt3A_80 : i1 to i32
        %cond3A_82 = arith.constant 0 : i32
        %cond3A_83 = arith.cmpi ne, %convert_element_type3A_81, %cond3A_82 : i32
        scf.if %cond3A_83 {
          %add3A_84 = arith.constant 2 : i32
          %add3A_85 = arith.addi %add3A_45, %add3A_84 : i32
          %mul3A_86 = arith.constant 32 : i32
          %mul3A_87 = arith.muli %add3A_85, %mul3A_86 : i32
          %add3A_88 = arith.addi %mul3A_87, %add3A : i32
          %mul3A_89 = arith.constant 4096 : i32
          %mul3A_90 = arith.muli %add3A_88, %mul3A_89 : i32
          %dma_start3A_91 = tpu.memref_slice %arg3[%mul3A_90] : memref<1000000xf32, #tpu.memory_space<hbm>> -> memref<4096xf32, #tpu.memory_space<hbm>>
          %dma_start3A_92 = tpu.memref_slice %arg3[%mul3A_90] : memref<1000000xf32, #tpu.memory_space<hbm>> -> memref<4096xf32, #tpu.memory_space<hbm>>
          tpu.enqueue_dma source(%dma_start3A_92 : memref<4096xf32, #tpu.memory_space<hbm>>) target(%arg7 : memref<4096xf32, #tpu.memory_space<vmem>>) target_semaphore(%arg13 : memref<!tpu.dma_semaphore, #tpu.memory_space<semaphore_mem>>)
          %dma_start3A_93 = tpu.memref_slice %arg4[%mul3A_90] : memref<1000000xf32, #tpu.memory_space<hbm>> -> memref<4096xf32, #tpu.memory_space<hbm>>
          %dma_start3A_94 = tpu.memref_slice %arg4[%mul3A_90] : memref<1000000xf32, #tpu.memory_space<hbm>> -> memref<4096xf32, #tpu.memory_space<hbm>>
          tpu.enqueue_dma source(%dma_start3A_94 : memref<4096xf32, #tpu.memory_space<hbm>>) target(%arg8 : memref<4096xf32, #tpu.memory_space<vmem>>) target_semaphore(%arg14 : memref<!tpu.dma_semaphore, #tpu.memory_space<semaphore_mem>>)
        } else {
        }
      } else {
      }
      %add3A_50 = arith.constant 1 : i32
      %add3A_51 = arith.addi %add3A_45, %add3A_50 : i32
      %lt3A_52 = arith.cmpi slt, %add3A_51, %select_n3A : i32
      %convert_element_type3A_53 = arith.extui %lt3A_52 : i1 to i32
      %cond3A_54 = arith.constant 0 : i32
      %cond3A_55 = arith.cmpi ne, %convert_element_type3A_53, %cond3A_54 : i32
      scf.if %cond3A_55 {
        %mul3A_56 = arith.constant 32 : i32
        %mul3A_57 = arith.muli %add3A_51, %mul3A_56 : i32
        %add3A_58 = arith.addi %mul3A_57, %add3A : i32
        %mul3A_59 = arith.constant 4096 : i32
        %mul3A_60 = arith.muli %add3A_58, %mul3A_59 : i32
        %dma_wait3A_61 = tpu.memref_slice %arg3[%mul3A_60] : memref<1000000xf32, #tpu.memory_space<hbm>> -> memref<4096xf32, #tpu.memory_space<hbm>>
        %dma_wait3A_62 = tpu.memref_slice %arg3[%mul3A_60] : memref<1000000xf32, #tpu.memory_space<hbm>> -> memref<4096xf32, #tpu.memory_space<hbm>>
        tpu.wait_dma2 semaphore(%arg16 : memref<!tpu.dma_semaphore, #tpu.memory_space<semaphore_mem>>) src(%dma_wait3A_62 : memref<4096xf32, #tpu.memory_space<hbm>>) dst(%arg10 : memref<4096xf32, #tpu.memory_space<vmem>>)
        %dma_wait3A_63 = tpu.memref_slice %arg4[%mul3A_60] : memref<1000000xf32, #tpu.memory_space<hbm>> -> memref<4096xf32, #tpu.memory_space<hbm>>
        %dma_wait3A_64 = tpu.memref_slice %arg4[%mul3A_60] : memref<1000000xf32, #tpu.memory_space<hbm>> -> memref<4096xf32, #tpu.memory_space<hbm>>
        tpu.wait_dma2 semaphore(%arg17 : memref<!tpu.dma_semaphore, #tpu.memory_space<semaphore_mem>>) src(%dma_wait3A_64 : memref<4096xf32, #tpu.memory_space<hbm>>) dst(%arg11 : memref<4096xf32, #tpu.memory_space<vmem>>)
        %ge3A = arith.constant 2 : i32
        %ge3A_65 = arith.cmpi sge, %add3A_51, %ge3A : i32
        %convert_element_type3A_66 = arith.extui %ge3A_65 : i1 to i32
        %cond3A_67 = arith.constant 0 : i32
        %cond3A_68 = arith.cmpi ne, %convert_element_type3A_66, %cond3A_67 : i32
        scf.if %cond3A_68 {
          %sub3A = arith.constant 2 : i32
          %sub3A_84 = arith.subi %add3A_51, %sub3A : i32
          %mul3A_85 = arith.constant 32 : i32
          %mul3A_86 = arith.muli %sub3A_84, %mul3A_85 : i32
          %add3A_87 = arith.addi %mul3A_86, %add3A : i32
          %mul3A_88 = arith.constant 4096 : i32
          %mul3A_89 = arith.muli %add3A_87, %mul3A_88 : i32
          %dma_wait3A_90 = tpu.memref_slice %arg5[%mul3A_89] : memref<1000000xf32, #tpu.memory_space<hbm>> -> memref<4096xf32, #tpu.memory_space<hbm>>
          %dma_wait3A_91 = tpu.memref_slice %arg5[%mul3A_89] : memref<1000000xf32, #tpu.memory_space<hbm>> -> memref<4096xf32, #tpu.memory_space<hbm>>
          tpu.wait_dma2 semaphore(%arg18 : memref<!tpu.dma_semaphore, #tpu.memory_space<semaphore_mem>>) src(%arg12 : memref<4096xf32, #tpu.memory_space<vmem>>) dst(%dma_wait3A_91 : memref<4096xf32, #tpu.memory_space<hbm>>)
        } else {
        }
        %parallel_loop3A = arith.constant 0 : i32
        %parallel_loop3A_69 = arith.constant 4096 : i32
        %parallel_loop3A_70 = arith.constant 16 : i32
        scf.for %parallel_loop3A_84 = %parallel_loop3A to %parallel_loop3A_69 step %parallel_loop3A_70  : i32 {
          %parallel_loop3A_85 = arith.index_cast %parallel_loop3A_84 : i32 to index
          %parallel_loop3A_86 = tpu.vector_load %arg10[%parallel_loop3A_85] {strides = array<i32>} : memref<4096xf32, #tpu.memory_space<vmem>>, vector<16xf32>,
          %parallel_loop3A_87 = arith.index_cast %parallel_loop3A_84 : i32 to index
          %parallel_loop3A_88 = tpu.vector_load %arg11[%parallel_loop3A_87] {strides = array<i32>} : memref<4096xf32, #tpu.memory_space<vmem>>, vector<16xf32>,
          %parallel_loop3A_89 = arith.constant 999.999938 : f32
          %parallel_loop3A_90 = vector.broadcast %parallel_loop3A_89 : f32 to vector<16xf32>
          %parallel_loop3A_91 = arith.mulf %parallel_loop3A_86, %parallel_loop3A_90 : vector<16xf32>
          %parallel_loop3A_92 = arith.fptosi %parallel_loop3A_91 : vector<16xf32> to vector<16xi32>
          %parallel_loop3A_93 = arith.constant 1.500000e+01 : f32
          %parallel_loop3A_94 = vector.broadcast %parallel_loop3A_93 : f32 to vector<16xf32>
          %parallel_loop3A_95 = arith.mulf %parallel_loop3A_88, %parallel_loop3A_94 : vector<16xf32>
          %parallel_loop3A_96 = arith.fptosi %parallel_loop3A_95 : vector<16xf32> to vector<16xi32>
          %parallel_loop3A_97 = arith.sitofp %parallel_loop3A_96 : vector<16xi32> to vector<16xf32>
          %parallel_loop3A_98 = arith.subf %parallel_loop3A_95, %parallel_loop3A_97 : vector<16xf32>
          %parallel_loop3A_99 = arith.constant 0.970859706 : f32
          %parallel_loop3A_100 = vector.broadcast %parallel_loop3A_99 : f32 to vector<16xf32>
          %parallel_loop3A_101 = arith.mulf %parallel_loop3A_98, %parallel_loop3A_100 : vector<16xf32>
          %parallel_loop3A_102 = arith.constant 0.985422492 : f32
          %parallel_loop3A_103 = vector.broadcast %parallel_loop3A_102 : f32 to vector<16xf32>
          %parallel_loop3A_104 = arith.subf %parallel_loop3A_103, %parallel_loop3A_101 : vector<16xf32>
          %parallel_loop3A_105 = arith.constant 0.0145628955 : f32
          %parallel_loop3A_106 = vector.broadcast %parallel_loop3A_105 : f32 to vector<16xf32>
          %parallel_loop3A_107 = arith.addf %parallel_loop3A_106, %parallel_loop3A_101 : vector<16xf32>
          %parallel_loop3A_108 = arith.constant 0.0145628955 : f32
          %parallel_loop3A_109 = vector.broadcast %parallel_loop3A_108 : f32 to vector<16xf32>
          %parallel_loop3A_110 = arith.subf %parallel_loop3A_109, %parallel_loop3A_101 : vector<16xf32>
          %parallel_loop3A_111 = arith.constant 0.000000e+00 : f32
          %parallel_loop3A_112 = vector.broadcast %parallel_loop3A_111 : f32 to vector<16xf32>
          %parallel_loop3A_113 = arith.maximumf %parallel_loop3A_110, %parallel_loop3A_112 : vector<16xf32>
          %parallel_loop3A_114 = arith.constant 0.956296801 : f32
          %parallel_loop3A_115 = vector.broadcast %parallel_loop3A_114 : f32 to vector<16xf32>
          %parallel_loop3A_116 = arith.subf %parallel_loop3A_101, %parallel_loop3A_115 : vector<16xf32>
          %parallel_loop3A_117 = arith.constant 0.000000e+00 : f32
          %parallel_loop3A_118 = vector.broadcast %parallel_loop3A_117 : f32 to vector<16xf32>
          %parallel_loop3A_119 = arith.maximumf %parallel_loop3A_116, %parallel_loop3A_118 : vector<16xf32>
          %parallel_loop3A_120 = arith.constant 1000 : i32
          %parallel_loop3A_121 = vector.broadcast %parallel_loop3A_120 : i32 to vector<16xi32>
          %parallel_loop3A_122 = arith.muli %parallel_loop3A_96, %parallel_loop3A_121 : vector<16xi32>
          %parallel_loop3A_123 = arith.addi %parallel_loop3A_122, %parallel_loop3A_92 : vector<16xi32>
          %parallel_loop3A_124 = tpu.vector_load_idx %arg6[%parallel_loop3A_123] : memref<18000xf32, #tpu.memory_space<vmem>>[vector<16xi32>], vector<16xf32>,
          %parallel_loop3A_125 = arith.constant 1000 : i32
          %parallel_loop3A_126 = tpu.memref_slice %arg6[%parallel_loop3A_125] : memref<18000xf32, #tpu.memory_space<vmem>> -> memref<17000xf32, #tpu.memory_space<vmem>>
          %parallel_loop3A_127 = tpu.vector_load_idx %parallel_loop3A_126[%parallel_loop3A_123] : memref<17000xf32, #tpu.memory_space<vmem>>[vector<16xi32>], vector<16xf32>,
          %parallel_loop3A_128 = arith.constant 2000 : i32
          %parallel_loop3A_129 = tpu.memref_slice %arg6[%parallel_loop3A_128] : memref<18000xf32, #tpu.memory_space<vmem>> -> memref<16000xf32, #tpu.memory_space<vmem>>
          %parallel_loop3A_130 = tpu.vector_load_idx %parallel_loop3A_129[%parallel_loop3A_123] : memref<16000xf32, #tpu.memory_space<vmem>>[vector<16xi32>], vector<16xf32>,
          %parallel_loop3A_131 = arith.constant 3000 : i32
          %parallel_loop3A_132 = tpu.memref_slice %arg6[%parallel_loop3A_131] : memref<18000xf32, #tpu.memory_space<vmem>> -> memref<15000xf32, #tpu.memory_space<vmem>>
          %parallel_loop3A_133 = tpu.vector_load_idx %parallel_loop3A_132[%parallel_loop3A_123] : memref<15000xf32, #tpu.memory_space<vmem>>[vector<16xi32>], vector<16xf32>,
          %parallel_loop3A_134 = arith.mulf %parallel_loop3A_104, %parallel_loop3A_127 : vector<16xf32>
          %parallel_loop3A_135 = arith.mulf %parallel_loop3A_107, %parallel_loop3A_130 : vector<16xf32>
          %parallel_loop3A_136 = arith.addf %parallel_loop3A_134, %parallel_loop3A_135 : vector<16xf32>
          %parallel_loop3A_137 = arith.mulf %parallel_loop3A_113, %parallel_loop3A_124 : vector<16xf32>
          %parallel_loop3A_138 = arith.mulf %parallel_loop3A_119, %parallel_loop3A_133 : vector<16xf32>
          %parallel_loop3A_139 = arith.addf %parallel_loop3A_137, %parallel_loop3A_138 : vector<16xf32>
          %parallel_loop3A_140 = arith.addf %parallel_loop3A_136, %parallel_loop3A_139 : vector<16xf32>
          %parallel_loop3A_141 = arith.index_cast %parallel_loop3A_84 : i32 to index
          %parallel_loop3A_142 = tpu.vector_load %arg12[%parallel_loop3A_141] {strides = array<i32>} : memref<4096xf32, #tpu.memory_space<vmem>>, vector<16xf32>,
          tpu.vector_store %arg12[%parallel_loop3A_141], %parallel_loop3A_140 {strides = array<i32>} : memref<4096xf32, #tpu.memory_space<vmem>>, vector<16xf32>,
        } {sc.loop_unroll_factor = 8 : i64, sc.parallel_access}
        %mul3A_71 = arith.constant 32 : i32
        %mul3A_72 = arith.muli %add3A_51, %mul3A_71 : i32
        %add3A_73 = arith.addi %mul3A_72, %add3A : i32
        %mul3A_74 = arith.constant 4096 : i32
        %mul3A_75 = arith.muli %add3A_73, %mul3A_74 : i32
        %dma_start3A_76 = tpu.memref_slice %arg5[%mul3A_75] : memref<1000000xf32, #tpu.memory_space<hbm>> -> memref<4096xf32, #tpu.memory_space<hbm>>
        %dma_start3A_77 = tpu.memref_slice %arg5[%mul3A_75] : memref<1000000xf32, #tpu.memory_space<hbm>> -> memref<4096xf32, #tpu.memory_space<hbm>>
        tpu.enqueue_dma source(%arg12 : memref<4096xf32, #tpu.memory_space<vmem>>) target(%dma_start3A_77 : memref<4096xf32, #tpu.memory_space<hbm>>) target_semaphore(%arg18 : memref<!tpu.dma_semaphore, #tpu.memory_space<semaphore_mem>>)
        %add3A_78 = arith.constant 2 : i32
        %add3A_79 = arith.addi %add3A_51, %add3A_78 : i32
        %lt3A_80 = arith.cmpi slt, %add3A_79, %select_n3A : i32
        %convert_element_type3A_81 = arith.extui %lt3A_80 : i1 to i32
        %cond3A_82 = arith.constant 0 : i32
        %cond3A_83 = arith.cmpi ne, %convert_element_type3A_81, %cond3A_82 : i32
        scf.if %cond3A_83 {
          %add3A_84 = arith.constant 2 : i32
          %add3A_85 = arith.addi %add3A_51, %add3A_84 : i32
          %mul3A_86 = arith.constant 32 : i32
          %mul3A_87 = arith.muli %add3A_85, %mul3A_86 : i32
          %add3A_88 = arith.addi %mul3A_87, %add3A : i32
          %mul3A_89 = arith.constant 4096 : i32
          %mul3A_90 = arith.muli %add3A_88, %mul3A_89 : i32
          %dma_start3A_91 = tpu.memref_slice %arg3[%mul3A_90] : memref<1000000xf32, #tpu.memory_space<hbm>> -> memref<4096xf32, #tpu.memory_space<hbm>>
          %dma_start3A_92 = tpu.memref_slice %arg3[%mul3A_90] : memref<1000000xf32, #tpu.memory_space<hbm>> -> memref<4096xf32, #tpu.memory_space<hbm>>
          tpu.enqueue_dma source(%dma_start3A_92 : memref<4096xf32, #tpu.memory_space<hbm>>) target(%arg10 : memref<4096xf32, #tpu.memory_space<vmem>>) target_semaphore(%arg16 : memref<!tpu.dma_semaphore, #tpu.memory_space<semaphore_mem>>)
          %dma_start3A_93 = tpu.memref_slice %arg4[%mul3A_90] : memref<1000000xf32, #tpu.memory_space<hbm>> -> memref<4096xf32, #tpu.memory_space<hbm>>
          %dma_start3A_94 = tpu.memref_slice %arg4[%mul3A_90] : memref<1000000xf32, #tpu.memory_space<hbm>> -> memref<4096xf32, #tpu.memory_space<hbm>>
          tpu.enqueue_dma source(%dma_start3A_94 : memref<4096xf32, #tpu.memory_space<hbm>>) target(%arg11 : memref<4096xf32, #tpu.memory_space<vmem>>) target_semaphore(%arg17 : memref<!tpu.dma_semaphore, #tpu.memory_space<semaphore_mem>>)
        } else {
        }
      } else {
      }
    }
    %scan3A_21 = arith.constant 4 : i32
    %add3A_22 = arith.constant 192 : i32
    %add3A_23 = arith.addi %add3A_22, %add3A : i32
    %mul3A_24 = arith.constant 4096 : i32
    %mul3A_25 = arith.muli %add3A_23, %mul3A_24 : i32
    %dma_wait3A = tpu.memref_slice %arg5[%mul3A_25] : memref<1000000xf32, #tpu.memory_space<hbm>> -> memref<4096xf32, #tpu.memory_space<hbm>>
    %dma_wait3A_26 = tpu.memref_slice %arg5[%mul3A_25] : memref<1000000xf32, #tpu.memory_space<hbm>> -> memref<4096xf32, #tpu.memory_space<hbm>>
    tpu.wait_dma2 semaphore(%arg15 : memref<!tpu.dma_semaphore, #tpu.memory_space<semaphore_mem>>) src(%arg9 : memref<4096xf32, #tpu.memory_space<vmem>>) dst(%dma_wait3A_26 : memref<4096xf32, #tpu.memory_space<hbm>>)
    %eq3A = arith.constant 8 : i32
    %eq3A_27 = arith.cmpi eq, %select_n3A, %eq3A : i32
    %jit3A_28 = arith.constant 7 : i32
    %jit3A_29 = arith.constant 5 : i32
    %select_n3A_30 = arith.select %eq3A_27, %jit3A_28, %jit3A_29 : i32
    %mul3A_31 = arith.constant 32 : i32
    %mul3A_32 = arith.muli %select_n3A_30, %mul3A_31 : i32
    %add3A_33 = arith.addi %mul3A_32, %add3A : i32
    %mul3A_34 = arith.constant 4096 : i32
    %mul3A_35 = arith.muli %add3A_33, %mul3A_34 : i32
    %dma_wait3A_36 = tpu.memref_slice %arg5[%mul3A_35] : memref<1000000xf32, #tpu.memory_space<hbm>> -> memref<4096xf32, #tpu.memory_space<hbm>>
    %dma_wait3A_37 = tpu.memref_slice %arg5[%mul3A_35] : memref<1000000xf32, #tpu.memory_space<hbm>> -> memref<4096xf32, #tpu.memory_space<hbm>>
    tpu.wait_dma2 semaphore(%arg18 : memref<!tpu.dma_semaphore, #tpu.memory_space<semaphore_mem>>) src(%arg12 : memref<4096xf32, #tpu.memory_space<vmem>>) dst(%dma_wait3A_37 : memref<4096xf32, #tpu.memory_space<hbm>>)
    %eq3A_38 = arith.constant 31 : i32
    %eq3A_39 = arith.cmpi eq, %add3A, %eq3A_38 : i32
    %convert_element_type3A = arith.extui %eq3A_39 : i1 to i32
    %cond3A = arith.constant 0 : i32
    %cond3A_40 = arith.cmpi ne, %convert_element_type3A, %cond3A : i32
    scf.if %cond3A_40 {
      "tpu.region"() ({
        %run_scoped3A = tpu.sem_alloc : memref<!tpu.dma_semaphore, #tpu.memory_space<semaphore_mem>>
        %dma_start3A_43 = arith.constant 0 : i32
        %dma_start3A_44 = tpu.memref_slice %arg7[%dma_start3A_43] : memref<4096xf32, #tpu.memory_space<vmem>> -> memref<576xf32, #tpu.memory_space<vmem>>
        %dma_start3A_45 = arith.constant 999424 : i32
        %dma_start3A_46 = tpu.memref_slice %arg3[%dma_start3A_45] : memref<1000000xf32, #tpu.memory_space<hbm>> -> memref<576xf32, #tpu.memory_space<hbm>>
        %dma_start3A_47 = arith.constant 0 : i32
        %dma_start3A_48 = tpu.memref_slice %arg7[%dma_start3A_47] : memref<4096xf32, #tpu.memory_space<vmem>> -> memref<576xf32, #tpu.memory_space<vmem>>
        %dma_start3A_49 = arith.constant 999424 : i32
        %dma_start3A_50 = tpu.memref_slice %arg3[%dma_start3A_49] : memref<1000000xf32, #tpu.memory_space<hbm>> -> memref<576xf32, #tpu.memory_space<hbm>>
        tpu.enqueue_dma source(%dma_start3A_50 : memref<576xf32, #tpu.memory_space<hbm>>) target(%dma_start3A_48 : memref<576xf32, #tpu.memory_space<vmem>>) target_semaphore(%run_scoped3A : memref<!tpu.dma_semaphore, #tpu.memory_space<semaphore_mem>>)
        %dma_wait3A_51 = arith.constant 0 : i32
        %dma_wait3A_52 = tpu.memref_slice %arg7[%dma_wait3A_51] : memref<4096xf32, #tpu.memory_space<vmem>> -> memref<576xf32, #tpu.memory_space<vmem>>
        %dma_wait3A_53 = arith.constant 999424 : i32
        %dma_wait3A_54 = tpu.memref_slice %arg3[%dma_wait3A_53] : memref<1000000xf32, #tpu.memory_space<hbm>> -> memref<576xf32, #tpu.memory_space<hbm>>
        %dma_wait3A_55 = arith.constant 0 : i32
        %dma_wait3A_56 = tpu.memref_slice %arg7[%dma_wait3A_55] : memref<4096xf32, #tpu.memory_space<vmem>> -> memref<576xf32, #tpu.memory_space<vmem>>
        %dma_wait3A_57 = arith.constant 999424 : i32
        %dma_wait3A_58 = tpu.memref_slice %arg3[%dma_wait3A_57] : memref<1000000xf32, #tpu.memory_space<hbm>> -> memref<576xf32, #tpu.memory_space<hbm>>
        tpu.wait_dma2 semaphore(%run_scoped3A : memref<!tpu.dma_semaphore, #tpu.memory_space<semaphore_mem>>) src(%dma_wait3A_58 : memref<576xf32, #tpu.memory_space<hbm>>) dst(%dma_wait3A_56 : memref<576xf32, #tpu.memory_space<vmem>>)
        tpu.yield
      }) : () -> ()
      "tpu.region"() ({
        %run_scoped3A = tpu.sem_alloc : memref<!tpu.dma_semaphore, #tpu.memory_space<semaphore_mem>>
        %dma_start3A_43 = arith.constant 0 : i32
        %dma_start3A_44 = tpu.memref_slice %arg8[%dma_start3A_43] : memref<4096xf32, #tpu.memory_space<vmem>> -> memref<576xf32, #tpu.memory_space<vmem>>
        %dma_start3A_45 = arith.constant 999424 : i32
        %dma_start3A_46 = tpu.memref_slice %arg4[%dma_start3A_45] : memref<1000000xf32, #tpu.memory_space<hbm>> -> memref<576xf32, #tpu.memory_space<hbm>>
        %dma_start3A_47 = arith.constant 0 : i32
        %dma_start3A_48 = tpu.memref_slice %arg8[%dma_start3A_47] : memref<4096xf32, #tpu.memory_space<vmem>> -> memref<576xf32, #tpu.memory_space<vmem>>
        %dma_start3A_49 = arith.constant 999424 : i32
        %dma_start3A_50 = tpu.memref_slice %arg4[%dma_start3A_49] : memref<1000000xf32, #tpu.memory_space<hbm>> -> memref<576xf32, #tpu.memory_space<hbm>>
        tpu.enqueue_dma source(%dma_start3A_50 : memref<576xf32, #tpu.memory_space<hbm>>) target(%dma_start3A_48 : memref<576xf32, #tpu.memory_space<vmem>>) target_semaphore(%run_scoped3A : memref<!tpu.dma_semaphore, #tpu.memory_space<semaphore_mem>>)
        %dma_wait3A_51 = arith.constant 0 : i32
        %dma_wait3A_52 = tpu.memref_slice %arg8[%dma_wait3A_51] : memref<4096xf32, #tpu.memory_space<vmem>> -> memref<576xf32, #tpu.memory_space<vmem>>
        %dma_wait3A_53 = arith.constant 999424 : i32
        %dma_wait3A_54 = tpu.memref_slice %arg4[%dma_wait3A_53] : memref<1000000xf32, #tpu.memory_space<hbm>> -> memref<576xf32, #tpu.memory_space<hbm>>
        %dma_wait3A_55 = arith.constant 0 : i32
        %dma_wait3A_56 = tpu.memref_slice %arg8[%dma_wait3A_55] : memref<4096xf32, #tpu.memory_space<vmem>> -> memref<576xf32, #tpu.memory_space<vmem>>
        %dma_wait3A_57 = arith.constant 999424 : i32
        %dma_wait3A_58 = tpu.memref_slice %arg4[%dma_wait3A_57] : memref<1000000xf32, #tpu.memory_space<hbm>> -> memref<576xf32, #tpu.memory_space<hbm>>
        tpu.wait_dma2 semaphore(%run_scoped3A : memref<!tpu.dma_semaphore, #tpu.memory_space<semaphore_mem>>) src(%dma_wait3A_58 : memref<576xf32, #tpu.memory_space<hbm>>) dst(%dma_wait3A_56 : memref<576xf32, #tpu.memory_space<vmem>>)
        tpu.yield
      }) : () -> ()
      %parallel_loop3A = arith.constant 0 : i32
      %parallel_loop3A_41 = arith.constant 576 : i32
      %parallel_loop3A_42 = arith.constant 16 : i32
      scf.for %parallel_loop3A_43 = %parallel_loop3A to %parallel_loop3A_41 step %parallel_loop3A_42  : i32 {
        %parallel_loop3A_44 = arith.index_cast %parallel_loop3A_43 : i32 to index
        %parallel_loop3A_45 = tpu.vector_load %arg7[%parallel_loop3A_44] {strides = array<i32>} : memref<4096xf32, #tpu.memory_space<vmem>>, vector<16xf32>,
        %parallel_loop3A_46 = arith.index_cast %parallel_loop3A_43 : i32 to index
        %parallel_loop3A_47 = tpu.vector_load %arg8[%parallel_loop3A_46] {strides = array<i32>} : memref<4096xf32, #tpu.memory_space<vmem>>, vector<16xf32>,
        %parallel_loop3A_48 = arith.constant 999.999938 : f32
        %parallel_loop3A_49 = vector.broadcast %parallel_loop3A_48 : f32 to vector<16xf32>
        %parallel_loop3A_50 = arith.mulf %parallel_loop3A_45, %parallel_loop3A_49 : vector<16xf32>
        %parallel_loop3A_51 = arith.fptosi %parallel_loop3A_50 : vector<16xf32> to vector<16xi32>
        %parallel_loop3A_52 = arith.constant 1.500000e+01 : f32
        %parallel_loop3A_53 = vector.broadcast %parallel_loop3A_52 : f32 to vector<16xf32>
        %parallel_loop3A_54 = arith.mulf %parallel_loop3A_47, %parallel_loop3A_53 : vector<16xf32>
        %parallel_loop3A_55 = arith.fptosi %parallel_loop3A_54 : vector<16xf32> to vector<16xi32>
        %parallel_loop3A_56 = arith.sitofp %parallel_loop3A_55 : vector<16xi32> to vector<16xf32>
        %parallel_loop3A_57 = arith.subf %parallel_loop3A_54, %parallel_loop3A_56 : vector<16xf32>
        %parallel_loop3A_58 = arith.constant 0.970859706 : f32
        %parallel_loop3A_59 = vector.broadcast %parallel_loop3A_58 : f32 to vector<16xf32>
        %parallel_loop3A_60 = arith.mulf %parallel_loop3A_57, %parallel_loop3A_59 : vector<16xf32>
        %parallel_loop3A_61 = arith.constant 0.985422492 : f32
        %parallel_loop3A_62 = vector.broadcast %parallel_loop3A_61 : f32 to vector<16xf32>
        %parallel_loop3A_63 = arith.subf %parallel_loop3A_62, %parallel_loop3A_60 : vector<16xf32>
        %parallel_loop3A_64 = arith.constant 0.0145628955 : f32
        %parallel_loop3A_65 = vector.broadcast %parallel_loop3A_64 : f32 to vector<16xf32>
        %parallel_loop3A_66 = arith.addf %parallel_loop3A_65, %parallel_loop3A_60 : vector<16xf32>
        %parallel_loop3A_67 = arith.constant 0.0145628955 : f32
        %parallel_loop3A_68 = vector.broadcast %parallel_loop3A_67 : f32 to vector<16xf32>
        %parallel_loop3A_69 = arith.subf %parallel_loop3A_68, %parallel_loop3A_60 : vector<16xf32>
        %parallel_loop3A_70 = arith.constant 0.000000e+00 : f32
        %parallel_loop3A_71 = vector.broadcast %parallel_loop3A_70 : f32 to vector<16xf32>
        %parallel_loop3A_72 = arith.maximumf %parallel_loop3A_69, %parallel_loop3A_71 : vector<16xf32>
        %parallel_loop3A_73 = arith.constant 0.956296801 : f32
        %parallel_loop3A_74 = vector.broadcast %parallel_loop3A_73 : f32 to vector<16xf32>
        %parallel_loop3A_75 = arith.subf %parallel_loop3A_60, %parallel_loop3A_74 : vector<16xf32>
        %parallel_loop3A_76 = arith.constant 0.000000e+00 : f32
        %parallel_loop3A_77 = vector.broadcast %parallel_loop3A_76 : f32 to vector<16xf32>
        %parallel_loop3A_78 = arith.maximumf %parallel_loop3A_75, %parallel_loop3A_77 : vector<16xf32>
        %parallel_loop3A_79 = arith.constant 1000 : i32
        %parallel_loop3A_80 = vector.broadcast %parallel_loop3A_79 : i32 to vector<16xi32>
        %parallel_loop3A_81 = arith.muli %parallel_loop3A_55, %parallel_loop3A_80 : vector<16xi32>
        %parallel_loop3A_82 = arith.addi %parallel_loop3A_81, %parallel_loop3A_51 : vector<16xi32>
        %parallel_loop3A_83 = tpu.vector_load_idx %arg6[%parallel_loop3A_82] : memref<18000xf32, #tpu.memory_space<vmem>>[vector<16xi32>], vector<16xf32>,
        %parallel_loop3A_84 = arith.constant 1000 : i32
        %parallel_loop3A_85 = tpu.memref_slice %arg6[%parallel_loop3A_84] : memref<18000xf32, #tpu.memory_space<vmem>> -> memref<17000xf32, #tpu.memory_space<vmem>>
        %parallel_loop3A_86 = tpu.vector_load_idx %parallel_loop3A_85[%parallel_loop3A_82] : memref<17000xf32, #tpu.memory_space<vmem>>[vector<16xi32>], vector<16xf32>,
        %parallel_loop3A_87 = arith.constant 2000 : i32
        %parallel_loop3A_88 = tpu.memref_slice %arg6[%parallel_loop3A_87] : memref<18000xf32, #tpu.memory_space<vmem>> -> memref<16000xf32, #tpu.memory_space<vmem>>
        %parallel_loop3A_89 = tpu.vector_load_idx %parallel_loop3A_88[%parallel_loop3A_82] : memref<16000xf32, #tpu.memory_space<vmem>>[vector<16xi32>], vector<16xf32>,
        %parallel_loop3A_90 = arith.constant 3000 : i32
        %parallel_loop3A_91 = tpu.memref_slice %arg6[%parallel_loop3A_90] : memref<18000xf32, #tpu.memory_space<vmem>> -> memref<15000xf32, #tpu.memory_space<vmem>>
        %parallel_loop3A_92 = tpu.vector_load_idx %parallel_loop3A_91[%parallel_loop3A_82] : memref<15000xf32, #tpu.memory_space<vmem>>[vector<16xi32>], vector<16xf32>,
        %parallel_loop3A_93 = arith.mulf %parallel_loop3A_63, %parallel_loop3A_86 : vector<16xf32>
        %parallel_loop3A_94 = arith.mulf %parallel_loop3A_66, %parallel_loop3A_89 : vector<16xf32>
        %parallel_loop3A_95 = arith.addf %parallel_loop3A_93, %parallel_loop3A_94 : vector<16xf32>
        %parallel_loop3A_96 = arith.mulf %parallel_loop3A_72, %parallel_loop3A_83 : vector<16xf32>
        %parallel_loop3A_97 = arith.mulf %parallel_loop3A_78, %parallel_loop3A_92 : vector<16xf32>
        %parallel_loop3A_98 = arith.addf %parallel_loop3A_96, %parallel_loop3A_97 : vector<16xf32>
        %parallel_loop3A_99 = arith.addf %parallel_loop3A_95, %parallel_loop3A_98 : vector<16xf32>
        %parallel_loop3A_100 = arith.index_cast %parallel_loop3A_43 : i32 to index
        %parallel_loop3A_101 = tpu.vector_load %arg9[%parallel_loop3A_100] {strides = array<i32>} : memref<4096xf32, #tpu.memory_space<vmem>>, vector<16xf32>,
        tpu.vector_store %arg9[%parallel_loop3A_100], %parallel_loop3A_99 {strides = array<i32>} : memref<4096xf32, #tpu.memory_space<vmem>>, vector<16xf32>,
      } {sc.loop_unroll_factor = 8 : i64, sc.parallel_access}
      "tpu.region"() ({
        %run_scoped3A = tpu.sem_alloc : memref<!tpu.dma_semaphore, #tpu.memory_space<semaphore_mem>>
        %dma_start3A_43 = arith.constant 0 : i32
        %dma_start3A_44 = tpu.memref_slice %arg9[%dma_start3A_43] : memref<4096xf32, #tpu.memory_space<vmem>> -> memref<576xf32, #tpu.memory_space<vmem>>
        %dma_start3A_45 = arith.constant 999424 : i32
        %dma_start3A_46 = tpu.memref_slice %arg5[%dma_start3A_45] : memref<1000000xf32, #tpu.memory_space<hbm>> -> memref<576xf32, #tpu.memory_space<hbm>>
        %dma_start3A_47 = arith.constant 999424 : i32
        %dma_start3A_48 = tpu.memref_slice %arg5[%dma_start3A_47] : memref<1000000xf32, #tpu.memory_space<hbm>> -> memref<576xf32, #tpu.memory_space<hbm>>
        %dma_start3A_49 = arith.constant 0 : i32
        %dma_start3A_50 = tpu.memref_slice %arg9[%dma_start3A_49] : memref<4096xf32, #tpu.memory_space<vmem>> -> memref<576xf32, #tpu.memory_space<vmem>>
        tpu.enqueue_dma source(%dma_start3A_50 : memref<576xf32, #tpu.memory_space<vmem>>) target(%dma_start3A_48 : memref<576xf32, #tpu.memory_space<hbm>>) target_semaphore(%run_scoped3A : memref<!tpu.dma_semaphore, #tpu.memory_space<semaphore_mem>>)
        %dma_wait3A_51 = arith.constant 0 : i32
        %dma_wait3A_52 = tpu.memref_slice %arg9[%dma_wait3A_51] : memref<4096xf32, #tpu.memory_space<vmem>> -> memref<576xf32, #tpu.memory_space<vmem>>
        %dma_wait3A_53 = arith.constant 999424 : i32
        %dma_wait3A_54 = tpu.memref_slice %arg5[%dma_wait3A_53] : memref<1000000xf32, #tpu.memory_space<hbm>> -> memref<576xf32, #tpu.memory_space<hbm>>
        %dma_wait3A_55 = arith.constant 999424 : i32
        %dma_wait3A_56 = tpu.memref_slice %arg5[%dma_wait3A_55] : memref<1000000xf32, #tpu.memory_space<hbm>> -> memref<576xf32, #tpu.memory_space<hbm>>
        %dma_wait3A_57 = arith.constant 0 : i32
        %dma_wait3A_58 = tpu.memref_slice %arg9[%dma_wait3A_57] : memref<4096xf32, #tpu.memory_space<vmem>> -> memref<576xf32, #tpu.memory_space<vmem>>
        tpu.wait_dma2 semaphore(%run_scoped3A : memref<!tpu.dma_semaphore, #tpu.memory_space<semaphore_mem>>) src(%dma_wait3A_58 : memref<576xf32, #tpu.memory_space<vmem>>) dst(%dma_wait3A_56 : memref<576xf32, #tpu.memory_space<hbm>>)
        tpu.yield
      }) : () -> ()
    } else {
    }
    return
  }
}

module attributes {stable_mosaic.version = 14 : i64} {
  func.func @_tc_table_body(%arg0: memref<16x1000xf32, #tpu.memory_space<vmem>>, %arg1: memref<1x1000xf32, #tpu.memory_space<vmem>>, %arg2: memref<18x1000xf32, #tpu.memory_space<vmem>>) attributes {dimension_semantics = [], scalar_prefetch = 0 : i64, scratch_operands = 0 : i64, tpu.core_type = #tpu.core_type<tc>} {
    %get3A = arith.constant 0 : index
    %get3A_0 = arith.constant 0 : index
    %get3A_1 = vector.load %arg0[%get3A, %get3A_0] : memref<16x1000xf32, #tpu.memory_space<vmem>>, vector<16x1000xf32>
    %tanh3A = math.tanh %get3A_1 : vector<16x1000xf32>
    %mul3A = arith.constant 0.899999976 : f32
    %mul3A_2 = vector.broadcast %mul3A : f32 to vector<16x1000xf32>
    %mul3A_3 = arith.mulf %mul3A_2, %tanh3A : vector<16x1000xf32>
    %broadcast_in_dim3A = arith.constant 0.000000e+00 : f32
    %broadcast_in_dim3A_4 = vector.broadcast %broadcast_in_dim3A : f32 to vector<16x9xf32>
    %concatenate3A = tpu.concatenate %broadcast_in_dim3A_4, %mul3A_3, %broadcast_in_dim3A_4 in 1 : vector<16x9xf32>, vector<16x1000xf32>, vector<16x9xf32> -> vector<16x1018xf32>
    %slice3A = vector.extract_strided_slice %concatenate3A {offsets = [0, 0], sizes = [16, 1000], strides = [1, 1]} : vector<16x1018xf32> to vector<16x1000xf32>
    %mul3A_5 = arith.constant 0.00999999977 : f32
    %mul3A_6 = vector.broadcast %mul3A_5 : f32 to vector<16x1000xf32>
    %mul3A_7 = arith.mulf %mul3A_6, %slice3A : vector<16x1000xf32>
    %slice3A_8 = vector.extract_strided_slice %concatenate3A {offsets = [0, 1], sizes = [16, 1000], strides = [1, 1]} : vector<16x1018xf32> to vector<16x1000xf32>
    %mul3A_9 = arith.constant 2.000000e-02 : f32
    %mul3A_10 = vector.broadcast %mul3A_9 : f32 to vector<16x1000xf32>
    %mul3A_11 = arith.mulf %mul3A_10, %slice3A_8 : vector<16x1000xf32>
    %add3A = arith.addf %mul3A_7, %mul3A_11 : vector<16x1000xf32>
    %slice3A_12 = vector.extract_strided_slice %concatenate3A {offsets = [0, 2], sizes = [16, 1000], strides = [1, 1]} : vector<16x1018xf32> to vector<16x1000xf32>
    %mul3A_13 = arith.constant 3.000000e-02 : f32
    %mul3A_14 = vector.broadcast %mul3A_13 : f32 to vector<16x1000xf32>
    %mul3A_15 = arith.mulf %mul3A_14, %slice3A_12 : vector<16x1000xf32>
    %add3A_16 = arith.addf %add3A, %mul3A_15 : vector<16x1000xf32>
    %slice3A_17 = vector.extract_strided_slice %concatenate3A {offsets = [0, 3], sizes = [16, 1000], strides = [1, 1]} : vector<16x1018xf32> to vector<16x1000xf32>
    %mul3A_18 = arith.constant 4.000000e-02 : f32
    %mul3A_19 = vector.broadcast %mul3A_18 : f32 to vector<16x1000xf32>
    %mul3A_20 = arith.mulf %mul3A_19, %slice3A_17 : vector<16x1000xf32>
    %add3A_21 = arith.addf %add3A_16, %mul3A_20 : vector<16x1000xf32>
    %slice3A_22 = vector.extract_strided_slice %concatenate3A {offsets = [0, 4], sizes = [16, 1000], strides = [1, 1]} : vector<16x1018xf32> to vector<16x1000xf32>
    %mul3A_23 = arith.constant 5.000000e-02 : f32
    %mul3A_24 = vector.broadcast %mul3A_23 : f32 to vector<16x1000xf32>
    %mul3A_25 = arith.mulf %mul3A_24, %slice3A_22 : vector<16x1000xf32>
    %add3A_26 = arith.addf %add3A_21, %mul3A_25 : vector<16x1000xf32>
    %slice3A_27 = vector.extract_strided_slice %concatenate3A {offsets = [0, 5], sizes = [16, 1000], strides = [1, 1]} : vector<16x1018xf32> to vector<16x1000xf32>
    %mul3A_28 = arith.constant 6.000000e-02 : f32
    %mul3A_29 = vector.broadcast %mul3A_28 : f32 to vector<16x1000xf32>
    %mul3A_30 = arith.mulf %mul3A_29, %slice3A_27 : vector<16x1000xf32>
    %add3A_31 = arith.addf %add3A_26, %mul3A_30 : vector<16x1000xf32>
    %slice3A_32 = vector.extract_strided_slice %concatenate3A {offsets = [0, 6], sizes = [16, 1000], strides = [1, 1]} : vector<16x1018xf32> to vector<16x1000xf32>
    %mul3A_33 = arith.constant 7.000000e-02 : f32
    %mul3A_34 = vector.broadcast %mul3A_33 : f32 to vector<16x1000xf32>
    %mul3A_35 = arith.mulf %mul3A_34, %slice3A_32 : vector<16x1000xf32>
    %add3A_36 = arith.addf %add3A_31, %mul3A_35 : vector<16x1000xf32>
    %slice3A_37 = vector.extract_strided_slice %concatenate3A {offsets = [0, 7], sizes = [16, 1000], strides = [1, 1]} : vector<16x1018xf32> to vector<16x1000xf32>
    %mul3A_38 = arith.constant 8.000000e-02 : f32
    %mul3A_39 = vector.broadcast %mul3A_38 : f32 to vector<16x1000xf32>
    %mul3A_40 = arith.mulf %mul3A_39, %slice3A_37 : vector<16x1000xf32>
    %add3A_41 = arith.addf %add3A_36, %mul3A_40 : vector<16x1000xf32>
    %slice3A_42 = vector.extract_strided_slice %concatenate3A {offsets = [0, 8], sizes = [16, 1000], strides = [1, 1]} : vector<16x1018xf32> to vector<16x1000xf32>
    %mul3A_43 = arith.constant 9.000000e-02 : f32
    %mul3A_44 = vector.broadcast %mul3A_43 : f32 to vector<16x1000xf32>
    %mul3A_45 = arith.mulf %mul3A_44, %slice3A_42 : vector<16x1000xf32>
    %add3A_46 = arith.addf %add3A_41, %mul3A_45 : vector<16x1000xf32>
    %slice3A_47 = vector.extract_strided_slice %concatenate3A {offsets = [0, 9], sizes = [16, 1000], strides = [1, 1]} : vector<16x1018xf32> to vector<16x1000xf32>
    %mul3A_48 = arith.constant 1.000000e-01 : f32
    %mul3A_49 = vector.broadcast %mul3A_48 : f32 to vector<16x1000xf32>
    %mul3A_50 = arith.mulf %mul3A_49, %slice3A_47 : vector<16x1000xf32>
    %add3A_51 = arith.addf %add3A_46, %mul3A_50 : vector<16x1000xf32>
    %slice3A_52 = vector.extract_strided_slice %concatenate3A {offsets = [0, 10], sizes = [16, 1000], strides = [1, 1]} : vector<16x1018xf32> to vector<16x1000xf32>
    %mul3A_53 = arith.constant 9.000000e-02 : f32
    %mul3A_54 = vector.broadcast %mul3A_53 : f32 to vector<16x1000xf32>
    %mul3A_55 = arith.mulf %mul3A_54, %slice3A_52 : vector<16x1000xf32>
    %add3A_56 = arith.addf %add3A_51, %mul3A_55 : vector<16x1000xf32>
    %slice3A_57 = vector.extract_strided_slice %concatenate3A {offsets = [0, 11], sizes = [16, 1000], strides = [1, 1]} : vector<16x1018xf32> to vector<16x1000xf32>
    %mul3A_58 = arith.constant 8.000000e-02 : f32
    %mul3A_59 = vector.broadcast %mul3A_58 : f32 to vector<16x1000xf32>
    %mul3A_60 = arith.mulf %mul3A_59, %slice3A_57 : vector<16x1000xf32>
    %add3A_61 = arith.addf %add3A_56, %mul3A_60 : vector<16x1000xf32>
    %slice3A_62 = vector.extract_strided_slice %concatenate3A {offsets = [0, 12], sizes = [16, 1000], strides = [1, 1]} : vector<16x1018xf32> to vector<16x1000xf32>
    %mul3A_63 = arith.constant 7.000000e-02 : f32
    %mul3A_64 = vector.broadcast %mul3A_63 : f32 to vector<16x1000xf32>
    %mul3A_65 = arith.mulf %mul3A_64, %slice3A_62 : vector<16x1000xf32>
    %add3A_66 = arith.addf %add3A_61, %mul3A_65 : vector<16x1000xf32>
    %slice3A_67 = vector.extract_strided_slice %concatenate3A {offsets = [0, 13], sizes = [16, 1000], strides = [1, 1]} : vector<16x1018xf32> to vector<16x1000xf32>
    %mul3A_68 = arith.constant 6.000000e-02 : f32
    %mul3A_69 = vector.broadcast %mul3A_68 : f32 to vector<16x1000xf32>
    %mul3A_70 = arith.mulf %mul3A_69, %slice3A_67 : vector<16x1000xf32>
    %add3A_71 = arith.addf %add3A_66, %mul3A_70 : vector<16x1000xf32>
    %slice3A_72 = vector.extract_strided_slice %concatenate3A {offsets = [0, 14], sizes = [16, 1000], strides = [1, 1]} : vector<16x1018xf32> to vector<16x1000xf32>
    %mul3A_73 = arith.constant 5.000000e-02 : f32
    %mul3A_74 = vector.broadcast %mul3A_73 : f32 to vector<16x1000xf32>
    %mul3A_75 = arith.mulf %mul3A_74, %slice3A_72 : vector<16x1000xf32>
    %add3A_76 = arith.addf %add3A_71, %mul3A_75 : vector<16x1000xf32>
    %slice3A_77 = vector.extract_strided_slice %concatenate3A {offsets = [0, 15], sizes = [16, 1000], strides = [1, 1]} : vector<16x1018xf32> to vector<16x1000xf32>
    %mul3A_78 = arith.constant 4.000000e-02 : f32
    %mul3A_79 = vector.broadcast %mul3A_78 : f32 to vector<16x1000xf32>
    %mul3A_80 = arith.mulf %mul3A_79, %slice3A_77 : vector<16x1000xf32>
    %add3A_81 = arith.addf %add3A_76, %mul3A_80 : vector<16x1000xf32>
    %slice3A_82 = vector.extract_strided_slice %concatenate3A {offsets = [0, 16], sizes = [16, 1000], strides = [1, 1]} : vector<16x1018xf32> to vector<16x1000xf32>
    %mul3A_83 = arith.constant 3.000000e-02 : f32
    %mul3A_84 = vector.broadcast %mul3A_83 : f32 to vector<16x1000xf32>
    %mul3A_85 = arith.mulf %mul3A_84, %slice3A_82 : vector<16x1000xf32>
    %add3A_86 = arith.addf %add3A_81, %mul3A_85 : vector<16x1000xf32>
    %slice3A_87 = vector.extract_strided_slice %concatenate3A {offsets = [0, 17], sizes = [16, 1000], strides = [1, 1]} : vector<16x1018xf32> to vector<16x1000xf32>
    %mul3A_88 = arith.constant 2.000000e-02 : f32
    %mul3A_89 = vector.broadcast %mul3A_88 : f32 to vector<16x1000xf32>
    %mul3A_90 = arith.mulf %mul3A_89, %slice3A_87 : vector<16x1000xf32>
    %add3A_91 = arith.addf %add3A_86, %mul3A_90 : vector<16x1000xf32>
    %slice3A_92 = vector.extract_strided_slice %concatenate3A {offsets = [0, 18], sizes = [16, 1000], strides = [1, 1]} : vector<16x1018xf32> to vector<16x1000xf32>
    %mul3A_93 = arith.constant 0.00999999977 : f32
    %mul3A_94 = vector.broadcast %mul3A_93 : f32 to vector<16x1000xf32>
    %mul3A_95 = arith.mulf %mul3A_94, %slice3A_92 : vector<16x1000xf32>
    %add3A_96 = arith.addf %add3A_91, %mul3A_95 : vector<16x1000xf32>
    %get3A_97 = arith.constant 0 : index
    %get3A_98 = arith.constant 0 : index
    %get3A_99 = vector.load %arg1[%get3A_97, %get3A_98] : memref<1x1000xf32, #tpu.memory_space<vmem>>, vector<1x1000xf32>
    %div3A = vector.broadcast %get3A_99 : vector<1x1000xf32> to vector<16x1000xf32>
    %div3A_100 = arith.divf %add3A_96, %div3A : vector<16x1000xf32>
    %reduce_sum3A = arith.constant dense<0.000000e+00> : vector<16xf32>
    %reduce_sum3A_101 = vector.multi_reduction <add>, %div3A_100, %reduce_sum3A [1] : vector<16x1000xf32> to vector<16xf32>
    %broadcast_in_dim3A_102 = vector.shape_cast %reduce_sum3A_101 : vector<16xf32> to vector<16x1xf32>
    %div3A_103 = arith.constant 1.000000e+03 : f32
    %div3A_104 = vector.broadcast %div3A_103 : f32 to vector<16x1xf32>
    %div3A_105 = arith.divf %broadcast_in_dim3A_102, %div3A_104 : vector<16x1xf32>
    %sub3A = vector.broadcast %div3A_105 : vector<16x1xf32> to vector<16x1000xf32>
    %sub3A_106 = arith.subf %div3A_100, %sub3A : vector<16x1000xf32>
    %broadcast_in_dim3A_107 = arith.constant 0.000000e+00 : f32
    %broadcast_in_dim3A_108 = vector.broadcast %broadcast_in_dim3A_107 : f32 to vector<1x1000xf32>
    %concatenate3A_109 = tpu.concatenate %broadcast_in_dim3A_108, %sub3A_106, %broadcast_in_dim3A_108 in 0 : vector<1x1000xf32>, vector<16x1000xf32>, vector<1x1000xf32> -> vector<18x1000xf32>
    %swap3A = arith.constant 0 : index
    %swap3A_110 = arith.constant 0 : index
    %swap3A_111 = vector.load %arg2[%swap3A, %swap3A_110] : memref<18x1000xf32, #tpu.memory_space<vmem>>, vector<18x1000xf32>
    tpu.vector_store %arg2[%swap3A, %swap3A_110], %concatenate3A_109 {strides = array<i32>} : memref<18x1000xf32, #tpu.memory_space<vmem>>, vector<18x1000xf32>,
    return
  }
}

</mosaic_0001>

<sc_bundles>
// kernel: kernel.4.cloned.1.call-start
scs
__scs_entry_jumppad:
0x0: {  	(pc) =	sbr.rel $0x88, $3  }
0x1: {  	(tag) =	ssettag $0x0;
	lr =	simm.s32 $0x1  }
0x2: {  	[smem:$0x3F9E] =	sst lr;
	_ =	strace $0xD0000000  }
0x3: {  	_ = 	snop  }
0x4: {  	_ = 	snop  }
0x5: {  	_ = 	snop  }
0x6: {  	_ = 	snop  }
0x7: {  	_ = 	snop  }
__scs_overlays_trampoline_lowered:
0x8: {  	[smem:$0x3FAD] =	sst s0  }
0x9: {  	[smem:$0x3FAE] =	sst s1  }
0xa: {  	[smem:$0x3FAF] =	sst s2  }
0xb: {  	[smem:$0x3FB0] =	sst s3  }
0xc: {  	[smem:$0x3FB1] =	sst s4  }
0xd: {  	[smem:$0x3FB2] =	sst s5  }
0xe: {  	[smem:$0x3FB3] =	sst s6  }
0xf: {  	[smem:$0x3FB4] =	sst s7  }
0x10: {  	[smem:$0x3FB5] =	sst s8  }
0x11: {  	[smem:$0x3FB6] =	sst s9;
	s0 =	simm.s32 @!p0 $0x0  }
0x12: {  	s1 =	sld [smem:$0x3F9C];
	s0 =	simm.s32 @p0 $0x1  }
0x13: {  	[smem:$0x3FB7] =	sst s0;
	s0 =	simm.s32 @!p1 $0x0  }
0x14: {  	s2 =	sld [smem:$0x3F9B];
	s0 =	simm.s32 @p1 $0x1  }
0x15: {  	[smem:$0x3FB8] =	sst s0;
	s0 =	simm.s32 @!p2 $0x0  }
0x16: {  	s3 =	sld [smem:$0x3FDB];
	s0 =	simm.s32 @p2 $0x1  }
0x17: {  	s4 =	simm.s32 $0x1BF5;
	[smem:$0x3FBA] =	sst s0  }
0x18: {  	s0 =	sld [smem:$0x3F9D];
	_ =	swait.ge [sflag:s4], $0x0  }
0x19: {  	s7 =	sld [smem:$0x3F9E]  }
0x1a: {  	s8 =	sadd.s32 $0xFFFFE003, lr  }
0x1b: {  	s9 =	sadd.s32 $0xFFFFFEF7, lr;
	s5 =	simm.s32 $0xFFFFFFFF;
	p2 =	slt.u32 s8, $0xFFFFF086  }
0x1c: {  	p1 =	slt.u32 s9, $0xF7A;
	s5 =	simm.s32 @!p2 $0x0  }
0x1d: {  	s5 =	simm.s32 @p1 $0x1;
	p0 =	seq.s32 s7, s2  }
0x1e: {  	s7 =	smul.u32 @!p0 $0xF7A, s2;
	p2 =	seq.s32 @!p0 s5, $0x0  }
0x1f: {  	s9 =	smul.u32 $0xF7A, s1;
	s8 =	simm.s32 @!p0 $0x1BF5;
	p2 =	por !p2, p0  }
0x20: {  	[sflag:s8] =	ssyncset.s32 @!p0 $0xFFFFF086;
	s6 =	sadd.s32 @!p0 s3, s7;
	s7 =	simm.s32 @!p0 $0x108  }
0x21: {  	s3 =	sadd.s32 s3, s9;
	s6 =	sadd.s32 @!p0 $0x88, s6;
	s7 =	simm.s32 @p2 $0x1082  }
0x22: {  	[simem:s7], [sflag:s8] =	dma.local @!p0 [hbm:s6], $0xF7A  }
0x23: {  	s9 =	sor.u32 $0xD0000000, s2;
	s6 =	simm.s32 $0x108;
	_ =	swait.ge @!p0 [sflag:s8], $0x0  }
0x24: {  	s3 =	sadd.s32 $0x88, s3;
	s6 =	simm.s32 @!p1 $0x1082;
	[sflag:s4] =	ssyncset.s32 $0xFFFFF086  }
0x25: {  	[simem:s6], [sflag:s4] =	dma.local [hbm:s3], $0xF7A  }
0x26: {  	[smem:$0x3F9E] =	sst s1;
	(tag) =	ssettag s2;
	_ =	strace s9  }
0x27: {  	s1 =	sld [smem:$0x3FAE]  }
0x28: {  	s2 =	sld [smem:$0x3FAF]  }
0x29: {  	s4 =	sld [smem:$0x3FB1]  }
0x2a: {  	p0 =	seq.s32 s5, $0x0;
	s5 =	sld [smem:$0x3FB2]  }
0x2b: {  	s6 =	sld [smem:$0x3FB3]  }
0x2c: {  	s7 =	sld [smem:$0x3FB4]  }
0x2d: {  	s3 =	simm.s32 $0x108;
	s8 =	sld [smem:$0x3FB5]  }
0x2e: {  	s3 =	simm.s32 @!p0 $0x1082;
	s9 =	sld [smem:$0x3FB6]  }
0x2f: {  	lr =	sadd.s32 s0, s3;
	s0 =	sld [smem:$0x3FAD]  }
0x30: {  	s3 =	sld [smem:$0x3FB0]  }
0x31: {  	[smem:$0x3FB9] =	sst s10  }
0x32: {  	s10 =	sld [smem:$0x3FB7];
	_ =	sdelay $0x3  }
0x33: {  	p0 =	seq.s32 s10, $0x1;
	s10 =	sld [smem:$0x3FB9];
	_ =	sdelay $0x3  }
0x34: {  	[smem:$0x3FB9] =	sst s10  }
0x35: {  	s10 =	sld [smem:$0x3FB8];
	_ =	sdelay $0x3  }
0x36: {  	p1 =	seq.s32 s10, $0x1;
	s10 =	sld [smem:$0x3FB9];
	_ =	sdelay $0x3  }
0x37: {  	[smem:$0x3FB9] =	sst s10  }
0x38: {  	s10 =	sld [smem:$0x3FBA]  }
0x39: {  	_ = 	snop;
	(pc) =	sbr.ind lr, $3  }
0x3a: {  	_ = 	snop  }
0x3b: {  	_ = 	snop  }
0x3c: {  	p2 =	seq.s32 s10, $0x1;
	s10 =	sld [smem:$0x3FB9]  }
0x3d: {  	_ =	shalt  }
0x3e: {  	_ =	shalt  }
0x3f: {  	_ =	shalt  }
0x40: {  	_ =	shalt  }
0x41: {  	_ =	shalt  }
0x42: {  	_ =	shalt  }
0x43: {  	_ =	shalt  }
0x44: {  	_ =	shalt  }
0x45: {  	_ =	shalt  }
0x46: {  	_ =	shalt  }
0x47: {  	_ =	shalt  }
0x48: {  	_ =	shalt  }
0x49: {  	_ =	shalt  }
0x4a: {  	_ =	shalt  }
0x4b: {  	_ =	shalt  }
0x4c: {  	_ =	shalt  }
0x4d: {  	_ =	shalt  }
0x4e: {  	_ =	shalt  }
0x4f: {  	_ =	shalt  }
0x50: {  	_ =	shalt  }
0x51: {  	_ =	shalt  }
0x52: {  	_ =	shalt  }
0x53: {  	_ =	shalt  }
0x54: {  	_ =	shalt  }
0x55: {  	_ =	shalt  }
0x56: {  	_ =	shalt  }
0x57: {  	_ =	shalt  }
0x58: {  	_ =	shalt  }
0x59: {  	_ =	shalt  }
0x5a: {  	_ =	shalt  }
0x5b: {  	_ =	shalt  }
0x5c: {  	_ =	shalt  }
0x5d: {  	_ =	shalt  }
0x5e: {  	_ =	shalt  }
0x5f: {  	_ =	shalt  }
0x60: {  	_ =	shalt  }
0x61: {  	_ =	shalt  }
0x62: {  	_ =	shalt  }
0x63: {  	_ =	shalt  }
0x64: {  	_ =	shalt  }
0x65: {  	_ =	shalt  }
0x66: {  	_ =	shalt  }
0x67: {  	_ =	shalt  }
0x68: {  	_ =	shalt  }
0x69: {  	_ =	shalt  }
0x6a: {  	_ =	shalt  }
0x6b: {  	_ =	shalt  }
0x6c: {  	_ =	shalt  }
0x6d: {  	_ =	shalt  }
0x6e: {  	_ =	shalt  }
0x6f: {  	_ =	shalt  }
0x70: {  	_ =	shalt  }
0x71: {  	_ =	shalt  }
0x72: {  	_ =	shalt  }
0x73: {  	_ =	shalt  }
0x74: {  	_ =	shalt  }
0x75: {  	_ =	shalt  }
0x76: {  	_ =	shalt  }
0x77: {  	_ =	shalt  }
0x78: {  	_ =	shalt  }
0x79: {  	_ =	shalt  }
0x7a: {  	_ =	shalt  }
0x7b: {  	_ =	shalt  }
0x7c: {  	_ =	shalt  }
0x7d: {  	_ =	shalt  }
0x7e: {  	_ =	shalt  }
0x7f: {  	_ =	shalt  }
0x80: {  	_ =	shalt  }
0x81: {  	_ =	shalt  }
0x82: {  	_ =	shalt  }
0x83: {  	_ =	shalt  }
0x84: {  	_ =	shalt  }
0x85: {  	_ =	shalt  }
0x86: {  	_ =	shalt  }
0x87: {  	_ =	shalt  }
.Lfunc_end0:
.L_simem_size_0:
called_computation_lowered:
.L_overlay_start_0:
0x88: {  	s2 =	sld [smem:$0x3FD9]  }
0x89: {  	s3 =	sld [smem:$0x3FFE];
	_ =	sdelay $0x1  }
0x8a: {  	s1 =	srdreg.scid  }
0x8b: {  	s0 =	sand.u32 $0x1, s1  }
0x8c: {  	s17 =	sshll.u32 s0, $0xA;
	s2 =	sadd.s32 s3, s2  }
0x8d: {  	s2 =	sadd.s32 s2, s17  }
0x8e: {  	[smem:$0x3FC5] =	sst s2  }
0x8f: {  	_ = 	snop  }
0x90: {  	s2 =	sld [smem:$0x3FC9]  }
0x91: {  	s18 =	sld [smem:$0x3FC8]  }
0x92: {  	s4 =	sld [smem:$0x3FD0];
	(tm) =	ssettm $0x1  }
0x93: {  	s5 =	sld [smem:$0x3FFB];
	_ =	sdelay $0x3  }
0x94: {  	_ =	strace s5  }
0x95: {  	s5 =	sld [smem:$0x3FFC];
	_ =	sdelay $0x3  }
0x96: {  	_ =	strace s5  }
0x97: {  	s5 =	sld [smem:$0x3FFD];
	_ =	sdelay $0x3  }
0x98: {  	_ =	strace s5  }
0x99: {  	_ =	strace $0x8FFFFFFF  }
0x9a: {  	s19 =	sld [smem:$0x3FDB];
	_ =	sdelay $0x1  }
0x9b: {  	s6 =	simm.s32 $_scs_section_size  }
0x9c: {  	s7 =	simm.s32 $_size__tile_overlayer_lowered;
	s8 =	simm.s32 $_tile_overlayer_lowered  }
0x9d: {  	s22 =	simm.s32 $0x1BFF;
	s21 =	sshll.u32 s8, $0x1;
	s5 =	sadd.s32 s6, s19  }
0x9e: {  	s9 =	simm.s32 $0x0;
	s20 =	sshll.u32 s7, $0x1;
	s7 =	sadd.s32 s21, s5  }
0x9f: {  	[timem:s9], [sflag:s22] =	dma.local [hbm:s7], s20  }
0xa0: {  	_ =	swait.ge [sflag:s22], s20  }
0xa1: {  	s6 =	ssub.s32 $0x0, s20;
	[sflag:s22] =	ssyncset.done $0x0  }
0xa2: {  	[sflag:s22] =	ssyncadd.s32 s6;
	_ =	sdelay $0x1  }
0xa3: {  	s23 =	simm.s32 $0x1B8B  }
0xa4: {  	_ =	swait.ge [sflag:s23], $0x1  }
0xa5: {  	[sflag:s23] =	ssyncset.done $0x0  }
0xa6: {  	s25 =	simm.s32 $0x1B8E;
	s24 =	sld [smem:$0x3FFE];
	[sflag:s23] =	ssyncadd.s32 $0xFFFFFFFF  }
0xa7: {  	s26 =	simm.s32 $execute0_lowered;
	[smem:$0x3FD2] =	sst s25  }
0xa8: {  	s7 =	sshll.u32 s26, $0x1;
	_ =	strace $0x80000046;
	[dreg:$0x1] =	wrdreg $0xFFFFFFFF  }
0xa9: {  	s28 =	simm.s32 $_size_execute0_lowered;
	s5 =	sadd.s32 s5, s7;
	[dreg:$0x0] =	wrdreg $0x0  }
0xaa: {  	s7 =	sshll.u32 s28, $0x1;
	[dreg:$0x2] =	wrdreg s5  }
0xab: {  	[dreg:$0x3] =	wrdreg s7  }
0xac: {  	[dreg:$0x4] =	wrdreg $0xC0  }
0xad: {  	_ =	task [dreg:s9], $0x5FFFF  }
0xae: {  	[dreg:$0x1] =	wrdreg $0xFFFFFFFF  }
0xaf: {  	[dreg:$0x0] =	wrdreg $0x60  }
0xb0: {  	[dreg:$0x2] =	wrdreg s24  }
0xb1: {  	[dreg:$0x3] =	wrdreg s2  }
0xb2: {  	[dreg:$0x4] =	wrdreg s18  }
0xb3: {  	[dreg:$0x5] =	wrdreg s4  }
0xb4: {  	[dreg:$0x6] =	wrdreg $0x9  }
0xb5: {  	_ =	task.clear_ibuf [dreg:s9], $0x7FFFF;
	_ =	strace $0x90000046  }
0xb6: {  	s29 =	simm.s32 $0x9;
	_ =	strace $0x80000048  }
0xb7: {  	_ =	swait.ge [sflag:s29], $0x1  }
0xb8: {  	[sflag:s29] =	ssyncadd.s32 $0xFFFFFFFF  }
0xb9: {  	_ =	strace $0x90000048  }
0xba: {  	_ =	sfence  }
0xbb: {  	s30 =	sld [smem:$0x0];
	_ =	sdelay $0x2  }
0xbc: {  	s31 =	sshll.u32 s1, $0xD;
	s1 =	sshrl.u32 s1, $0x2  }
0xbd: {  	s3 =	sand.u32 $0x4000, s31;
	s1 =	sadd.s32 s1, s30  }
0xbe: {  	s0 =	sor.u32 s3, s0;
	s1 =	sshll.u32 s1, $0x11  }
0xbf: {  	s0 =	sor.u32 s1, s0  }
0xc0: {  	s0 =	sadd.s32 $0x8F2B, s0  }
0xc1: {  	[sflag:s0] =	ssyncadd.remote.s32 $0x1  }
0xc2: {  	_ =	sfence.sel $0xFFFF  }
0xc3: {  	[dreg:$0x0] =	wrdreg $0xFFFFFFFF;
	(pc) =	sbr.abs _section_cstart, $3  }
0xc4: {  	[dreg:$0x1] =	wrdreg $0xFFFFFFFF  }
0xc5: {  	_ =	task.clear_ibuf [dreg:s9], $0x2FFFF;
	_ =	strace $0x9FFFFFFF  }
0xc6: {  	(tm) =	ssettm $0x7FFFFFFF  }
0xc7: {  	_ =	shalt  }
tec
execute0_lowered:
.L_overlay_start_1:
0x0: {  	(tag) =	ssettag $0x1  }
0x1: {  	s0 =	rddreg [dreg:$0x0]  }
0x2: {  	s1 =	rddreg [dreg:$0x1]  }
0x3: {  	s2 =	rddreg [dreg:$0x2]  }
0x4: {  	s3 =	rddreg [dreg:$0x3];
	s5 =	srdreg.scid  }
0x5: {  	s4 =	simm.s32 $0x0;
	s9 =	stileid.u32;
	s28 =	simm.s32 $0xBB8  }
0x6: {  	s29 =	simm.s32 $0x6680;
	s30 =	simm.s32 $0x4;
	s31 =	simm.s32 $0x5  }
0x7: {  	s20 =	simm.s32 $0x6;
	s5 =	sand.u32 $0x1, s5;
	[smem:$0x7FF] =	sst s4  }
0x8: {  	s8 =	sshll.u32 s9, $0x1;
	s0 =	sadd.s32 $0x800, s0;
	p0 =	slt.u32 s9, $0xA  }
0x9: {  	s25 =	sadd.s32 $0x1E800, s1;
	_ =	strace $0x80000047;
	[dreg:$0x5] =	wrdreg s0  }
0xa: {  	s26 =	sadd.s32 $0x1E800, s2;
	s6 =	ssub.s32 $0x2, s5;
	[dreg:$0x9] =	wrdreg s25  }
0xb: {  	s5 =	sor.u32 s5, s8;
	s8 =	simm.s32 $0x8;
	[dreg:$0xa] =	wrdreg s26  }
0xc: {  	s25 =	simm.s32 $0x3E8;
	s26 =	simm.s32 $0x7D0;
	s7 =	sshrl.u32 s6, $0x1  }
0xd: {  	s21 =	ssub.s32 s6, s7;
	s6 =	simm.s32 $0x8;
	s7 =	sshll.u32 s5, $0x9  }
0xe: {  	s0 =	simm.s32 $0x9680;
	s6 =	simm.s32 @!p0 $0x7;
	s22 =	sor.u32 $0x4000, s7  }
0xf: {  	s10 =	sadd.s32 s1, s7;
	s23 =	sadd.s32 s2, s7;
	s13 =	sadd.s32 s3, s7  }
.Ltmp0:
0x10: {  	s3 =	sadd.s32 $0x1E800, s3;
	s17 =	smax.u32 s21, $0x1;
	(pc) =	sbr.rel .LBB2_1-.Ltmp0, $4  }
0x11: {  	p0 =	sne.s32 s5, $0x1F;
	s21 =	simm.s32 $0x0;
	[dreg:$0x6] =	wrdreg s10  }
0x12: {  	[dreg:$0x7] =	wrdreg s23;
	s24 =	sadd.s32 s1, s22;
	s12 =	sadd.s32 s2, s22  }
0x13: {  	[dreg:$0xb] =	wrdreg s3;
	s22 =	simm.s32 $0x7;
	s23 =	simm.s32 $0x1  }
0x14: {  	s3 =	simm.s32 $0x3;
	[dreg:$0x8] =	wrdreg s24;
	s24 =	simm.s32 $0x2  }
.LBB2_17:
0x15: {  	s21 =	sadd.s32 $0x1, s21  }
0x16: {  	p1 =	sne.s32 s21, s17  }
.Ltmp1:
0x17: {  	_ = 	snop;
	(pc) =	sbr.rel @!p1 .LBB2_18-.Ltmp1, $1  }
0x18: {  	_ =	sdelay $0x3  }
.LBB2_1:
0x19: {  	s5 =	rddreg [dreg:$0x5]  }
0x1a: {  	[tilespmem:s4], [sflag:$0x7] =	stream.linear.gather [hbm4b:s5+s4], $0x4680, $0x38;
	[tilespmem:$0xA680] =	vst v63  }
0x1b: {  	s11 =	rddreg [dreg:$0x6];
	s9 =	simm.s32 $0x4680  }
0x1c: {  	[tilespmem:s9], [sflag:$0x1] =	stream.linear.gather [hbm4b:s11+s4], $0x1000, $0x38;
	[tilespmem:$0xA680] =	vst v63  }
0x1d: {  	s14 =	rddreg [dreg:$0x7];
	s15 =	simm.s32 $0x5680  }
0x1e: {  	[tilespmem:s15], [sflag:$0x2] =	stream.linear.gather [hbm4b:s14+s4], $0x1000, $0x38;
	[tilespmem:$0xA680] =	vst v63  }
0x1f: {  	s16 =	rddreg [dreg:$0x8];
	s18 =	simm.s32 $0x7680  }
0x20: {  	[tilespmem:s18], [sflag:$0x4] =	stream.linear.gather [hbm4b:s16+s4], $0x1000, $0x38;
	[tilespmem:$0xA680] =	vst v63  }
.Ltmp2:
0x21: {  	s19 =	simm.s32 $0x8680;
	(pc) =	sbr.rel .LBB2_2-.Ltmp2, $4  }
0x22: {  	[tilespmem:s19], [sflag:$0x5] =	stream.linear.gather [hbm4b:s12+s4], $0x1000, $0x38;
	[tilespmem:$0xA680] =	vst v63  }
0x23: {  	_ =	swait.ge [sflag:s22], $0x4680  }
0x24: {  	[sflag:s22] =	ssyncset.done $0x0  }
0x25: {  	s14 =	simm.s32 $0x0;
	[sflag:s22] =	ssyncadd.s32 $0xFFFFB980  }
.LBB2_10:
0x26: {  	s14 =	sadd.s32 $0x1, s14  }
0x27: {  	p1 =	sne.s32 s14, $0x4  }
.Ltmp3:
0x28: {  	_ = 	snop;
	(pc) =	sbr.rel @!p1 .LBB2_11-.Ltmp3, $1  }
0x29: {  	_ =	sdelay $0x3  }
.LBB2_2:
0x2a: {  	s15 =	sshll.u32 s14, $0x1  }
0x2b: {  	p1 =	sge.u32 s15, s6  }
.Ltmp4:
0x2c: {  	_ = 	snop;
	(pc) =	sbr.rel @p1 .LBB2_6-.Ltmp4, $1  }
0x2d: {  	_ =	sdelay $0x3  }
0x2e: {  	_ =	swait.ge [sflag:s23], $0x1000  }
0x2f: {  	[sflag:s23] =	ssyncset.done $0x0  }
0x30: {  	[sflag:s23] =	ssyncadd.s32 $0xFFFFF000  }
0x31: {  	_ =	swait.ge [sflag:s24], $0x1000  }
0x32: {  	p1 =	seq.s32 s14, $0x0;
	[sflag:s24] =	ssyncset.done $0x0  }
0x33: {  	s5 =	simm.s32 @!p1 $0x3;
	[sflag:s24] =	ssyncadd.s32 $0xFFFFF000  }
0x34: {  	_ =	swait.ge @!p1 [sflag:s5], $0x1000  }
0x35: {  	[sflag:s5] =	ssyncset.done @!p1 $0x0  }
0x36: {  	s18 =	simm.s32 $0x56C0;
	[sflag:s5] =	ssyncadd.s32 @!p1 $0xFFFFF000  }
0x37: {  	v0 =	vld [tilespmem:s18+$0x30]  }
0x38: {  	s9 =	simm.s32 $0x46C0;
	v1 =	vld [tilespmem:s18+$0xFFFFFFC0]  }
0x39: {  	v2 =	vld [tilespmem:s9+$0x30]  }
0x3a: {  	v3 =	vld [tilespmem:s18+$0xFFFFFFD0]  }
0x3b: {  	v4 =	vld [tilespmem:s18+$0xFFFFFFE0]  }
0x3c: {  	v5 =	vld [tilespmem:s18+$0xFFFFFFF0]  }
0x3d: {  	v6 =	vld [tilespmem:s18+$0x0]  }
0x3e: {  	v7 =	vld [tilespmem:s18+$0x10]  }
0x3f: {  	v9 =	vld [tilespmem:s18+$0x20]  }
0x40: {  	v10 =	vld [tilespmem:s9+$0xFFFFFFD0]  }
0x41: {  	v13 =	vld [tilespmem:s9+$0xFFFFFFE0]  }
0x42: {  	v15 =	vld [tilespmem:s9+$0xFFFFFFF0]  }
0x43: {  	v19 =	vld [tilespmem:s9+$0xFFFFFFC0];
	v0 =	vmul.f32 $1.500000000e+01, v0  }
0x44: {  	v16 =	vld [tilespmem:s9+$0x0];
	v1 =	vmul.f32 $1.500000000e+01, v1;
	v2 =	vmul.f32 $9.999999380e+02, v2  }
0x45: {  	v22 =	vld [tilespmem:s9+$0x10];
	v3 =	vmul.f32 $1.500000000e+01, v3;
	v4 =	vmul.f32 $1.500000000e+01, v4  }
0x46: {  	v23 =	vld [tilespmem:s9+$0x20];
	v5 =	vmul.f32 $1.500000000e+01, v5;
	v6 =	vmul.f32 $1.500000000e+01, v6  }
0x47: {  	v7 =	vmul.f32 $1.500000000e+01, v7;
	v9 =	vmul.f32 $1.500000000e+01, v9  }
0x48: {  	v19 =	vmul.f32 $9.999999380e+02, v19;
	v10 =	vmul.f32 $9.999999380e+02, v10  }
0x49: {  	v13 =	vmul.f32 $9.999999380e+02, v13;
	v15 =	vmul.f32 $9.999999380e+02, v15  }
0x4a: {  	v16 =	vmul.f32 $9.999999380e+02, v16;
	v22 =	vmul.f32 $9.999999380e+02, v22  }
0x4b: {  	v23 =	vmul.f32 $9.999999380e+02, v23;
	v8 =	vtrunc.f32 v0  }
0x4c: {  	v2 =	vtrunc.f32 v2;
	v12 =	vtrunc.f32 v1  }
0x4d: {  	v14 =	vtrunc.f32 v3;
	v17 =	vtrunc.f32 v5  }
0x4e: {  	v18 =	vtrunc.f32 v6;
	v8 =	vcvt.f32.s32 v8  }
0x4f: {  	v20 =	vtrunc.f32 v7;
	v21 =	vtrunc.f32 v9  }
0x50: {  	v10 =	vtrunc.f32 v10;
	v2 =	vcvt.f32.s32 v2;
	v11 =	vmul.u32 $0x3E8, v8  }
0x51: {  	v13 =	vtrunc.f32 v13;
	v15 =	vtrunc.f32 v15  }
0x52: {  	v16 =	vtrunc.f32 v16;
	v22 =	vtrunc.f32 v22;
	v2 =	vadd.s32 v2, v11  }
0x53: {  	v23 =	vtrunc.f32 v23;
	v12 =	vcvt.f32.s32 v12  }
0x54: {  	v8 =	vcvt.s32.f32 v8;
	v11 =	vtrunc.f32 v4  }
0x55: {  	v24 =	vcvt.f32.s32 v14;
	v11 =	vcvt.f32.s32 v11  }
0x56: {  	v17 =	vcvt.f32.s32 v17;
	v18 =	vcvt.f32.s32 v18;
	v0 =	vsub.f32 v0, v8  }
0x57: {  	v20 =	vcvt.f32.s32 v20;
	v28 =	vmul.u32 $0x3E8, v11;
	v11 =	vcvt.s32.f32 v11;
	v14 =	vld.idx.msk [tilespmem:v2+s4+$0x0], $0xffff  }
0x58: {  	v21 =	vcvt.f32.s32 v21;
	v0 =	vmul.f32 $9.708597060e-01, v0;
	v8 =	vld.idx.msk [tilespmem:v2+s25+$0x0], $0xffff  }
0x59: {  	v13 =	vcvt.f32.s32 v13;
	v25 =	vmul.u32 $0x3E8, v12;
	v26 =	vld.idx.msk [tilespmem:v2+s26+$0x0], $0xffff;
	v4 =	vsub.f32 v4, v11  }
0x5a: {  	v27 =	vmul.u32 $0x3E8, v24;
	v29 =	vsub.f32 $9.854224920e-01, v0;
	v30 =	vsub.f32 $1.456289550e-02, v0;
	v2 =	vld.idx.msk [tilespmem:v2+s28+$0x0], $0xffff  }
0x5b: {  	v31 =	vadd.f32 $1.456289550e-02, v0;
	v0 =	vadd.f32 $-9.562968010e-01, v0;
	v4 =	vmul.f32 $9.708597060e-01, v4  }
0x5c: {  	v11 =	vcvt.f32.s32 v15;
	v13 =	vadd.s32 v13, v28;
	v30 =	vmax.f32 v30, $0.0e+00  }
0x5d: {  	v0 =	vmax.f32 v0, $0.0e+00;
	v42 =	vsub.f32 $9.854224920e-01, v4;
	v8 =	vmul.f32 v29, v8  }
0x5e: {  	v44 =	vadd.f32 $1.456289550e-02, v4;
	v26 =	vmul.f32 v31, v26;
	v14 =	vmul.f32 v30, v14  }
0x5f: {  	v29 =	vmul.u32 $0x3E8, v17;
	v0 =	vmul.f32 v0, v2;
	v2 =	vtrunc.f32 v19  }
0x60: {  	v19 =	vmul.u32 $0x3E8, v18;
	v17 =	vcvt.s32.f32 v17;
	v2 =	vcvt.f32.s32 v2  }
0x61: {  	v8 =	vadd.f32 v26, v8;
	v0 =	vadd.f32 v0, v14;
	v26 =	vmul.u32 $0x3E8, v20  }
0x62: {  	v5 =	vsub.f32 v5, v17;
	v17 =	vcvt.f32.s32 v23;
	v2 =	vadd.s32 v2, v25  }
0x63: {  	v28 =	vld.idx.msk [tilespmem:v13+s4+$0x0], $0xffff;
	v25 =	vsub.f32 $1.456289550e-02, v4;
	v61 =	vadd.f32 v0, v8;
	v0 =	vcvt.s32.f32 v12  }
0x64: {  	s16 =	simm.s32 $0x4740;
	v11 =	vadd.s32 v11, v29;
	v8 =	vcvt.s32.f32 v24;
	v12 =	vmul.u32 $0x3E8, v21  }
0x65: {  	v52 =	vld [tilespmem:s16+$0xFFFFFFF0];
	v5 =	vmul.f32 $9.708597060e-01, v5;
	v25 =	vmax.f32 v25, $0.0e+00;
	v0 =	vsub.f32 v1, v0  }
0x66: {  	v54 =	vld [tilespmem:s16+$0xFFFFFFC0];
	v1 =	vcvt.s32.f32 v18;
	v3 =	vsub.f32 v3, v8;
	v8 =	vcvt.f32.s32 v10  }
0x67: {  	v56 =	vld [tilespmem:s16+$0x10];
	v18 =	vcvt.s32.f32 v20;
	v10 =	vcvt.s32.f32 v21;
	v29 =	vadd.f32 $-9.562968010e-01, v5  }
0x68: {  	v31 =	vld.idx.msk [tilespmem:v13+s25+$0x0], $0xffff;
	v45 =	vsub.f32 $9.854224920e-01, v5;
	v25 =	vmul.f32 v25, v28;
	v15 =	vadd.s32 v8, v27  }
0x69: {  	v34 =	vld.idx.msk [tilespmem:v13+s26+$0x0], $0xffff;
	v8 =	vcvt.f32.s32 v16;
	v1 =	vsub.f32 v6, v1;
	v6 =	vcvt.f32.s32 v22  }
0x6a: {  	v13 =	vld.idx.msk [tilespmem:v13+s28+$0x0], $0xffff;
	v18 =	vsub.f32 v7, v18;
	v9 =	vsub.f32 v9, v10;
	v0 =	vmul.f32 $9.708597060e-01, v0  }
0x6b: {  	v39 =	vld.idx.msk [tilespmem:v11+s4+$0x0], $0xffff;
	v3 =	vmul.f32 $9.708597060e-01, v3;
	v7 =	vadd.s32 v17, v12;
	v27 =	vsub.f32 $1.456289550e-02, v5  }
0x6c: {  	v41 =	vld.idx.msk [tilespmem:v11+s25+$0x0], $0xffff;
	v29 =	vmax.f32 v29, $0.0e+00;
	v5 =	vadd.f32 $1.456289550e-02, v5;
	v19 =	vadd.s32 v8, v19  }
0x6d: {  	v43 =	vld.idx.msk [tilespmem:v11+s26+$0x0], $0xffff;
	v8 =	vadd.s32 v6, v26;
	v12 =	vsub.f32 $1.456289550e-02, v0;
	v21 =	vadd.f32 $-9.562968010e-01, v0  }
0x6e: {  	v11 =	vld.idx.msk [tilespmem:v11+s28+$0x0], $0xffff;
	v1 =	vmul.f32 $9.708597060e-01, v1;
	v22 =	vsub.f32 $1.456289550e-02, v3;
	v24 =	vadd.f32 $-9.562968010e-01, v3  }
0x6f: {  	v16 =	vld.idx.msk [tilespmem:v2+s4+$0x0], $0xffff;
	v17 =	vmul.f32 $9.708597060e-01, v18;
	v26 =	vadd.f32 $-9.562968010e-01, v4;
	v37 =	vsub.f32 $9.854224920e-01, v0  }
0x70: {  	v10 =	vld.idx.msk [tilespmem:v2+s25+$0x0], $0xffff;
	v9 =	vmul.f32 $9.708597060e-01, v9;
	v0 =	vadd.f32 $1.456289550e-02, v0;
	v40 =	vsub.f32 $9.854224920e-01, v3  }
0x71: {  	v20 =	vld.idx.msk [tilespmem:v2+s26+$0x0], $0xffff;
	v27 =	vmax.f32 v27, $0.0e+00;
	v3 =	vadd.f32 $1.456289550e-02, v3;
	v12 =	vmax.f32 v12, $0.0e+00  }
0x72: {  	v2 =	vld.idx.msk [tilespmem:v2+s28+$0x0], $0xffff;
	v21 =	vmax.f32 v21, $0.0e+00;
	v30 =	vsub.f32 $1.456289550e-02, v1;
	v32 =	vadd.f32 $-9.562968010e-01, v1  }
0x73: {  	v22 =	vmax.f32 v22, $0.0e+00;
	v33 =	vsub.f32 $1.456289550e-02, v17;
	v35 =	vadd.f32 $-9.562968010e-01, v17;
	v6 =	vld.idx.msk [tilespmem:v15+s4+$0x0], $0xffff  }
0x74: {  	v24 =	vmax.f32 v24, $0.0e+00;
	v36 =	vsub.f32 $1.456289550e-02, v9;
	v38 =	vadd.f32 $-9.562968010e-01, v9;
	v18 =	vld.idx.msk [tilespmem:v15+s25+$0x0], $0xffff  }
0x75: {  	v26 =	vmax.f32 v26, $0.0e+00;
	v46 =	vsub.f32 $9.854224920e-01, v1;
	v48 =	vadd.f32 $1.456289550e-02, v1;
	v23 =	vld.idx.msk [tilespmem:v15+s26+$0x0], $0xffff  }
0x76: {  	s19 =	simm.s32 $0x5740;
	v49 =	vsub.f32 $9.854224920e-01, v17;
	v28 =	vmul.f32 v5, v43;
	v15 =	vld.idx.msk [tilespmem:v15+s28+$0x0], $0xffff;
	v10 =	vmul.f32 v37, v10  }
0x77: {  	v17 =	vadd.f32 $1.456289550e-02, v17;
	v20 =	vmul.f32 v0, v20;
	v13 =	vmul.f32 v26, v13;
	v26 =	vld [tilespmem:s19+$0x30]  }
0x78: {  	v1 =	vsub.f32 $9.854224920e-01, v9;
	v12 =	vmul.f32 v12, v16;
	v16 =	vmul.f32 v21, v2;
	v47 =	vld.idx.msk [tilespmem:v19+s4+$0x0], $0xffff  }
0x79: {  	v11 =	vmul.f32 v29, v11;
	v37 =	vmul.f32 $9.999999380e+02, v52;
	v50 =	vld.idx.msk [tilespmem:v19+s25+$0x0], $0xffff;
	v10 =	vadd.f32 v20, v10  }
0x7a: {  	v63 =	vld.idx.msk [tilespmem:v19+s26+$0x0], $0xffff;
	v20 =	vmul.f32 v45, v41;
	v12 =	vadd.f32 v16, v12;
	v16 =	vmul.f32 v27, v39  }
0x7b: {  	v2 =	vadd.f32 $1.456289550e-02, v9;
	v19 =	vld.idx.msk [tilespmem:v19+s28+$0x0], $0xffff;
	v39 =	vmul.f32 $9.999999380e+02, v54;
	v41 =	vmul.f32 $9.999999380e+02, v56  }
0x7c: {  	v30 =	vmax.f32 v30, $0.0e+00;
	v32 =	vmax.f32 v32, $0.0e+00;
	v45 =	vld [tilespmem:s19+$0xFFFFFFC0];
	v37 =	vtrunc.f32 v37  }
0x7d: {  	v33 =	vmax.f32 v33, $0.0e+00;
	v27 =	vld [tilespmem:s16+$0x30];
	v52 =	vtrunc.f32 v39;
	v54 =	vtrunc.f32 v41  }
0x7e: {  	v20 =	vadd.f32 v28, v20;
	v28 =	vld [tilespmem:s19+$0x0];
	v18 =	vmul.f32 v40, v18;
	v21 =	vmul.f32 v3, v23  }
0x7f: {  	v11 =	vadd.f32 v11, v16;
	v16 =	vld [tilespmem:s19+$0x10];
	v6 =	vmul.f32 v22, v6;
	v9 =	vmul.f32 v24, v15  }
0x80: {  	v13 =	vadd.f32 v13, v25;
	v23 =	vld.idx.msk [tilespmem:v8+s4+$0x0], $0xffff;
	v22 =	vmul.f32 v42, v31;
	v25 =	vmul.f32 $1.500000000e+01, v26  }
0x81: {  	v15 =	vld.idx.msk [tilespmem:v8+s25+$0x0], $0xffff;
	v18 =	vadd.f32 v21, v18;
	v21 =	vmul.f32 v46, v50;
	v29 =	vmul.f32 v30, v47  }
0x82: {  	v31 =	vld.idx.msk [tilespmem:v8+s26+$0x0], $0xffff;
	v9 =	vadd.f32 v9, v6;
	v6 =	vmul.f32 v48, v63;
	v27 =	vmul.f32 $9.999999380e+02, v27  }
0x83: {  	v0 =	vmax.f32 v35, $0.0e+00;
	v19 =	vmul.f32 v32, v19;
	v26 =	vmul.f32 $1.500000000e+01, v45  }
0x84: {  	v24 =	vmul.f32 v44, v34;
	v30 =	vld [tilespmem:s19+$0xFFFFFFD0];
	v21 =	vadd.f32 v6, v21;
	v6 =	vtrunc.f32 v27  }
0x85: {  	v47 =	vld [tilespmem:s19+$0xFFFFFFE0];
	v27 =	vadd.f32 v19, v29;
	v29 =	vtrunc.f32 v26;
	v28 =	vmul.f32 $1.500000000e+01, v28  }
0x86: {  	v22 =	vadd.f32 v24, v22;
	v24 =	vld [tilespmem:s19+$0xFFFFFFF0];
	v35 =	vmul.f32 $1.500000000e+01, v16;
	v5 =	vmul.f32 v33, v23  }
0x87: {  	v48 =	vld [tilespmem:s16+$0xFFFFFFD0];
	v23 =	vmul.f32 v49, v15;
	v17 =	vmul.f32 v17, v31  }
0x88: {  	v4 =	vmax.f32 v36, $0.0e+00;
	v31 =	vtrunc.f32 v25;
	v19 =	vcvt.f32.s32 v6  }
0x89: {  	v15 =	vadd.f32 v12, v10;
	v29 =	vcvt.f32.s32 v29;
	v12 =	vcvt.f32.s32 v31  }
0x8a: {  	v3 =	vmax.f32 v38, $0.0e+00;
	v55 =	vtrunc.f32 v35;
	v30 =	vmul.f32 $1.500000000e+01, v30  }
0x8b: {  	v10 =	vld [tilespmem:s19+$0x20];
	v31 =	vmul.f32 $1.500000000e+01, v47;
	v24 =	vmul.f32 $1.500000000e+01, v24;
	v6 =	vadd.f32 v17, v23  }
0x8c: {  	v17 =	vadd.f32 v13, v22;
	v32 =	vmul.f32 $9.999999380e+02, v48;
	v49 =	vmul.u32 $0x3E8, v12  }
0x8d: {  	v59 =	vmul.u32 $0x3E8, v29;
	v29 =	vcvt.s32.f32 v29;
	v50 =	vtrunc.f32 v30  }
0x8e: {  	v51 =	vtrunc.f32 v31;
	v53 =	vtrunc.f32 v24;
	v33 =	vadd.s32 v19, v49  }
0x8f: {  	v32 =	vtrunc.f32 v32;
	v26 =	vsub.f32 v26, v29;
	v29 =	vcvt.f32.s32 v52  }
0x90: {  	v23 =	vld [tilespmem:s16+$0xFFFFFFE0];
	v10 =	vmul.f32 $1.500000000e+01, v10;
	v19 =	vadd.f32 v9, v18;
	v9 =	vtrunc.f32 v28  }
0x91: {  	v13 =	vld [tilespmem:s16+$0x0];
	v18 =	vadd.f32 v11, v20;
	v11 =	vcvt.s32.f32 v12;
	v12 =	vcvt.f32.s32 v50  }
0x92: {  	v16 =	vadd.f32 v27, v21;
	v21 =	vcvt.f32.s32 v51;
	v27 =	vcvt.f32.s32 v53  }
0x93: {  	v9 =	vcvt.f32.s32 v9;
	v26 =	vmul.f32 $9.708597060e-01, v26;
	v11 =	vsub.f32 v25, v11;
	v57 =	vld.idx.msk [tilespmem:v33+s4+$0x0], $0xffff  }
0x94: {  	v22 =	vtrunc.f32 v10;
	v25 =	vcvt.f32.s32 v55;
	v62 =	vmul.u32 $0x3E8, v12;
	v58 =	vld.idx.msk [tilespmem:v33+s25+$0x0], $0xffff  }
0x95: {  	v23 =	vmul.f32 $9.999999380e+02, v23;
	v63 =	vmul.u32 $0x3E8, v21;
	v11 =	vmul.f32 $9.708597060e-01, v11;
	v60 =	vld.idx.msk [tilespmem:v33+s26+$0x0], $0xffff  }
0x96: {  	v13 =	vmul.f32 $9.999999380e+02, v13;
	v51 =	vmul.u32 $0x3E8, v27;
	v12 =	vcvt.s32.f32 v12;
	v33 =	vld.idx.msk [tilespmem:v33+s28+$0x0], $0xffff  }
0x97: {  	v22 =	vcvt.f32.s32 v22;
	v48 =	vsub.f32 $9.854224920e-01, v11;
	v49 =	vsub.f32 $1.456289550e-02, v11  }
0x98: {  	v20 =	vld [tilespmem:s16+$0x20];
	v56 =	vcvt.s32.f32 v9;
	v50 =	vadd.f32 $1.456289550e-02, v11;
	v11 =	vadd.f32 $-9.562968010e-01, v11  }
0x99: {  	v23 =	vtrunc.f32 v23;
	v13 =	vtrunc.f32 v13;
	v45 =	vmax.f32 v49, $0.0e+00  }
0x9a: {  	v11 =	vmax.f32 v11, $0.0e+00;
	v36 =	vmul.f32 v48, v58;
	v40 =	vmul.f32 v50, v60  }
0x9b: {  	v55 =	vmul.u32 $0x3E8, v25;
	v34 =	vmul.f32 v45, v57;
	v11 =	vmul.f32 v11, v33  }
0x9c: {  	v25 =	vcvt.s32.f32 v25;
	v30 =	vsub.f32 v30, v12;
	v12 =	vcvt.f32.s32 v32  }
0x9d: {  	v20 =	vmul.f32 $9.999999380e+02, v20;
	v36 =	vadd.f32 v40, v36;
	v11 =	vadd.f32 v11, v34  }
0x9e: {  	v53 =	vmul.u32 $0x3E8, v9;
	v23 =	vcvt.f32.s32 v23;
	v13 =	vcvt.f32.s32 v13  }
0x9f: {  	v14 =	vadd.f32 v11, v36;
	v11 =	vcvt.s32.f32 v21;
	v21 =	vcvt.s32.f32 v27  }
0xa0: {  	v25 =	vsub.f32 v35, v25;
	v20 =	vtrunc.f32 v20;
	v23 =	vadd.s32 v23, v63  }
0xa1: {  	v9 =	vld.idx.msk [tilespmem:v8+s28+$0x0], $0xffff;
	v20 =	vcvt.f32.s32 v20;
	v58 =	vadd.s32 v12, v62;
	v21 =	vsub.f32 v24, v21  }
0xa2: {  	v8 =	vld.idx.msk [tilespmem:v7+s4+$0x0], $0xffff;
	v24 =	vsub.f32 v28, v56;
	v28 =	vadd.s32 v29, v59;
	v29 =	vcvt.f32.s32 v54  }
0xa3: {  	v12 =	vld.idx.msk [tilespmem:v7+s26+$0x0], $0xffff;
	v34 =	vadd.s32 v13, v53;
	v27 =	vmul.u32 $0x3E8, v22;
	v22 =	vcvt.s32.f32 v22  }
0xa4: {  	v31 =	vsub.f32 v31, v11;
	v11 =	vld.idx.msk [tilespmem:v7+s25+$0x0], $0xffff;
	v13 =	vadd.s32 v29, v55;
	v29 =	vsub.f32 $1.456289550e-02, v26  }
0xa5: {  	v25 =	vmul.f32 $9.708597060e-01, v25;
	v57 =	vcvt.f32.s32 v37;
	v22 =	vsub.f32 v10, v22;
	v10 =	vld.idx.msk [tilespmem:v7+s28+$0x0], $0xffff  }
0xa6: {  	v7 =	vadd.s32 v20, v27;
	v20 =	vmul.f32 $9.708597060e-01, v30;
	v30 =	vmax.f32 v29, $0.0e+00;
	v29 =	vld.idx.msk [tilespmem:v58+s4+$0x0], $0xffff  }
0xa7: {  	v49 =	vsub.f32 $1.456289550e-02, v25;
	v32 =	vadd.s32 v57, v51;
	v51 =	vadd.f32 $-9.562968010e-01, v25  }
0xa8: {  	v53 =	vsub.f32 $9.854224920e-01, v26;
	v27 =	vmul.f32 $9.708597060e-01, v31;
	v21 =	vmul.f32 $9.708597060e-01, v21;
	v36 =	vld.idx.msk [tilespmem:v28+s4+$0x0], $0xffff  }
0xa9: {  	v31 =	vmul.f32 $9.708597060e-01, v24;
	v24 =	vadd.f32 $-9.562968010e-01, v26;
	v59 =	vsub.f32 $1.456289550e-02, v20;
	v35 =	vld.idx.msk [tilespmem:v28+s25+$0x0], $0xffff  }
0xaa: {  	v38 =	vmul.f32 $9.708597060e-01, v22;
	v22 =	vadd.f32 $-9.562968010e-01, v20;
	v26 =	vadd.f32 $1.456289550e-02, v26;
	v39 =	vld.idx.msk [tilespmem:v28+s26+$0x0], $0xffff  }
0xab: {  	v57 =	vsub.f32 $9.854224920e-01, v20;
	v60 =	vsub.f32 $1.456289550e-02, v27;
	v41 =	vld.idx.msk [tilespmem:v28+s28+$0x0], $0xffff;
	[tilespmem:$0x1FFF0] =	vst v29  }
0xac: {  	v42 =	vmax.f32 v24, $0.0e+00;
	v24 =	vsub.f32 $1.456289550e-02, v21;
	v44 =	vadd.f32 $-9.562968010e-01, v21;
	v46 =	vld.idx.msk [tilespmem:v58+s25+$0x0], $0xffff  }
0xad: {  	v45 =	vsub.f32 $1.456289550e-02, v31;
	v47 =	vadd.f32 $-9.562968010e-01, v31;
	v50 =	vld.idx.msk [tilespmem:v58+s26+$0x0], $0xffff  }
0xae: {  	s18 =	simm.s32 $0x66C0;
	v43 =	vmax.f32 v59, $0.0e+00;
	v52 =	vsub.f32 $1.456289550e-02, v38;
	v59 =	vadd.f32 $1.456289550e-02, v20;
	v54 =	vld.idx.msk [tilespmem:v58+s28+$0x0], $0xffff  }
0xaf: {  	v48 =	vmax.f32 v22, $0.0e+00;
	v62 =	vadd.f32 $1.456289550e-02, v27;
	v28 =	vadd.f32 $-9.562968010e-01, v27;
	v56 =	vld.idx.msk [tilespmem:v23+s4+$0x0], $0xffff;
	[tilespmem:s18+$0x30] =	vst v61  }
0xb0: {  	v37 =	vsub.f32 $9.854224920e-01, v21;
	v20 =	vadd.f32 $1.456289550e-02, v25;
	v40 =	vmax.f32 v60, $0.0e+00;
	v60 =	vld.idx.msk [tilespmem:v23+s25+$0x0], $0xffff;
	[tilespmem:s18+$0xFFFFFFC0] =	vst v15  }
0xb1: {  	v22 =	vmax.f32 v47, $0.0e+00;
	v55 =	vmax.f32 v28, $0.0e+00;
	v28 =	vsub.f32 $9.854224920e-01, v31;
	v63 =	vld.idx.msk [tilespmem:v23+s26+$0x0], $0xffff;
	[tilespmem:s18+$0xFFFFFFD0] =	vst v19  }
0xb2: {  	v29 =	vadd.f32 $1.456289550e-02, v21;
	v21 =	vmax.f32 v51, $0.0e+00;
	v61 =	vsub.f32 $9.854224920e-01, v27;
	v47 =	vld.idx.msk [tilespmem:v32+s4+$0x0], $0xffff;
	[tilespmem:s18+$0xFFFFFFE0] =	vst v17  }
0xb3: {  	v17 =	vsub.f32 $9.854224920e-01, v25;
	v19 =	vmax.f32 v49, $0.0e+00;
	v49 =	vld.idx.msk [tilespmem:v32+s25+$0x0], $0xffff;
	[tilespmem:s18+$0xFFFFFFF0] =	vst v18;
	v25 =	vmul.f32 v26, v39  }
0xb4: {  	s5 =	simm.s32 $0x6740;
	v27 =	vadd.f32 $1.456289550e-02, v31;
	v51 =	vld.idx.msk [tilespmem:v32+s26+$0x0], $0xffff;
	[tilespmem:s18+$0x0] =	vst v16;
	v26 =	vmul.f32 v30, v36;
	v31 =	vmul.f32 v42, v41  }
0xb5: {  	v15 =	vmax.f32 v52, $0.0e+00;
	v52 =	vld.idx.msk [tilespmem:v32+s28+$0x0], $0xffff;
	[tilespmem:s5+$0x30] =	vst v14  }
0xb6: {  	v33 =	vadd.f32 $-9.562968010e-01, v38;
	v32 =	vadd.f32 v31, v26;
	v26 =	vld [tilespmem:$0x1FFF0]  }
0xb7: {  	v58 =	vmax.f32 v24, $0.0e+00;
	v24 =	vmax.f32 v45, $0.0e+00;
	v45 =	vld.idx.msk [tilespmem:v23+s28+$0x0], $0xffff;
	v23 =	vmul.f32 v53, v35;
	_ =	sdelay $0x1  }
0xb8: {  	v14 =	vmax.f32 v33, $0.0e+00;
	v33 =	vld.idx.msk [tilespmem:v34+s4+$0x0], $0xffff;
	v30 =	vadd.f32 v25, v23;
	v23 =	vmul.f32 v57, v46  }
0xb9: {  	v18 =	vsub.f32 $9.854224920e-01, v38;
	v36 =	vld.idx.msk [tilespmem:v34+s25+$0x0], $0xffff;
	v25 =	vmul.f32 v59, v50;
	v31 =	vmul.f32 v48, v54  }
0xba: {  	v16 =	vadd.f32 $1.456289550e-02, v38;
	v38 =	vld.idx.msk [tilespmem:v34+s26+$0x0], $0xffff;
	v39 =	vmul.f32 v37, v49;
	v26 =	vmul.f32 v43, v26  }
0xbb: {  	v35 =	vld.idx.msk [tilespmem:v34+s28+$0x0], $0xffff;
	v23 =	vadd.f32 v25, v23;
	v25 =	vmul.f32 v61, v60;
	v61 =	vmul.f32 v62, v63  }
0xbc: {  	v44 =	vmax.f32 v44, $0.0e+00;
	v34 =	vld.idx.msk [tilespmem:v13+s25+$0x0], $0xffff;
	v62 =	vmul.f32 v40, v56;
	v63 =	vmul.f32 v55, v45  }
0xbd: {  	v41 =	vmul.f32 v58, v47;
	v40 =	vmul.f32 v29, v51;
	v26 =	vadd.f32 v31, v26;
	v31 =	vld.idx.msk [tilespmem:v13+s4+$0x0], $0xffff  }
0xbe: {  	s10 =	simm.s32 $0x57C0;
	s9 =	sshll.u32 s14, $0xF;
	s19 =	simm.s32 $0x80;
	v42 =	vmul.f32 v44, v52;
	v37 =	vld.idx.msk [tilespmem:v13+s26+$0x0], $0xffff;
	v25 =	vadd.f32 v61, v25;
	v29 =	vadd.f32 v63, v62  }
.LBB2_4:
0xbf: {  	v43 =	vld [tilespmem:s10+$0x30];
	v39 =	vadd.f32 v40, v39;
	v28 =	vmul.f32 v28, v36;
	v24 =	vmul.f32 v24, v33  }
0xc0: {  	v27 =	vmul.f32 v27, v38;
	s16 =	sadd.s32 $0x80, s16;
	v9 =	vmul.f32 v0, v9;
	v0 =	vmovc v21;
	v33 =	vld [tilespmem:s10+$0xFFFFFFC0];
	v36 =	vadd.f32 v42, v41  }
0xc1: {  	v30 =	vadd.f32 v32, v30;
	v11 =	vmul.f32 v1, v11;
	v1 =	vmovc v18;
	v22 =	vmul.f32 v22, v35;
	v21 =	vld [tilespmem:s16+$0x30]  }
0xc2: {  	s19 =	sadd.s32 $0x80, s19;
	v12 =	vmul.f32 v2, v12;
	v2 =	vmovc v16;
	v27 =	vadd.f32 v27, v28;
	v19 =	vmul.f32 v19, v31;
	v18 =	vld [tilespmem:s10+$0xFFFFFFD0]  }
0xc3: {  	v8 =	vmul.f32 v4, v8;
	p1 =	slt.u32 s19, $0xF80;
	v22 =	vadd.f32 v22, v24;
	v17 =	vmul.f32 v17, v34;
	v16 =	vld [tilespmem:s10+$0xFFFFFFE0];
	[tilespmem:s5+$0xFFFFFFC0] =	vst v30  }
0xc4: {  	v4 =	vmovc v15;
	v9 =	vadd.f32 v9, v5;
	v20 =	vmul.f32 v20, v37;
	v5 =	vmovc v19;
	v24 =	vld [tilespmem:s10+$0xFFFFFFF0];
	v28 =	vmul.f32 $1.500000000e+01, v43  }
0xc5: {  	v10 =	vmul.f32 v3, v10;
	v3 =	vmovc v14;
	v11 =	vadd.f32 v12, v11;
	v15 =	vmul.f32 $1.500000000e+01, v33;
	v19 =	vld [tilespmem:s10+$0x0]  }
0xc6: {  	v17 =	vadd.f32 v20, v17;
	v12 =	vld [tilespmem:s10+$0x10];
	v21 =	vmul.f32 $9.999999380e+02, v21;
	v30 =	vtrunc.f32 v28  }
0xc7: {  	v8 =	vadd.f32 v10, v8;
	v14 =	vmul.f32 $1.500000000e+01, v18;
	v18 =	vld [tilespmem:s10+$0x20];
	v20 =	vcvt.f32.s32 v30  }
0xc8: {  	v23 =	vadd.f32 v26, v23;
	v10 =	vld [tilespmem:s16+$0xFFFFFFD0];
	v16 =	vmul.f32 $1.500000000e+01, v16;
	v21 =	vtrunc.f32 v21  }
0xc9: {  	v26 =	vld [tilespmem:s16+$0xFFFFFFE0];
	v24 =	vmul.f32 $1.500000000e+01, v24;
	v21 =	vcvt.f32.s32 v21;
	v30 =	vmul.u32 $0x3E8, v20  }
0xca: {  	v31 =	vtrunc.f32 v15;
	v32 =	vld [tilespmem:s16+$0xFFFFFFF0];
	v19 =	vmul.f32 $1.500000000e+01, v19;
	[tilespmem:s5+$0xFFFFFFD0] =	vst v23;
	v23 =	vadd.f32 v29, v25  }
0xcb: {  	v25 =	vtrunc.f32 v14;
	v29 =	vld [tilespmem:s16+$0x0];
	v33 =	vmul.f32 $1.500000000e+01, v12;
	v12 =	vadd.s32 v21, v30  }
0xcc: {  	v21 =	vtrunc.f32 v16;
	v30 =	vld [tilespmem:s16+$0x10];
	v18 =	vmul.f32 $1.500000000e+01, v18;
	[tilespmem:s5+$0xFFFFFFE0] =	vst v23;
	v23 =	vadd.f32 v36, v39  }
0xcd: {  	v22 =	vadd.f32 v22, v27;
	v34 =	vtrunc.f32 v24;
	v35 =	vtrunc.f32 v19;
	v36 =	vld [tilespmem:s16+$0x20]  }
0xce: {  	v37 =	vtrunc.f32 v33;
	v27 =	vld [tilespmem:s16+$0xFFFFFFC0];
	v38 =	vtrunc.f32 v18;
	[tilespmem:s5+$0xFFFFFFF0] =	vst v23;
	v23 =	vadd.f32 v9, v6;
	v6 =	vmovc v17  }
0xcf: {  	v8 =	vadd.f32 v8, v11;
	v20 =	vcvt.s32.f32 v20;
	v17 =	vcvt.f32.s32 v31;
	[tilespmem:s5+$0x0] =	vst v22;
	v9 =	vld.idx.msk [tilespmem:v13+s28+$0x0], $0xffff  }
0xd0: {  	v21 =	vcvt.f32.s32 v21;
	v13 =	vcvt.f32.s32 v25;
	v22 =	vld.idx.msk [tilespmem:v12+s4+$0x0], $0xffff;
	[tilespmem:s18+$0x10] =	vst v23  }
0xd1: {  	v11 =	vsub.f32 v28, v20;
	v25 =	vcvt.f32.s32 v35;
	v23 =	vcvt.f32.s32 v34;
	v20 =	vld.idx.msk [tilespmem:v12+s25+$0x0], $0xffff;
	[tilespmem:s18+$0x20] =	vst v8;
	s18 =	smov.u32 s5  }
0xd2: {  	v31 =	vcvt.f32.s32 v37;
	v28 =	vmul.u32 $0x3E8, v17;
	v34 =	vcvt.f32.s32 v38;
	v35 =	vld.idx.msk [tilespmem:v12+s26+$0x0], $0xffff  }
0xd3: {  	v38 =	vmul.f32 $9.708597060e-01, v11;
	v37 =	vmul.u32 $0x3E8, v13;
	v27 =	vmul.f32 $9.999999380e+02, v27;
	v39 =	vld.idx.msk [tilespmem:v12+s28+$0x0], $0xffff  }
0xd4: {  	v40 =	vmul.f32 $9.999999380e+02, v10;
	v26 =	vmul.f32 $9.999999380e+02, v26;
	v41 =	vmul.u32 $0x3E8, v21;
	v8 =	vld.idx.msk [tilespmem:v7+s4+$0x0], $0xffff  }
0xd5: {  	v32 =	vmul.f32 $9.999999380e+02, v32;
	v42 =	vsub.f32 $9.854224920e-01, v38;
	v10 =	vsub.f32 $1.456289550e-02, v38;
	v11 =	vld.idx.msk [tilespmem:v7+s25+$0x0], $0xffff  }
0xd6: {  	v29 =	vmul.f32 $9.999999380e+02, v29;
	v43 =	vadd.f32 $1.456289550e-02, v38;
	v38 =	vadd.f32 $-9.562968010e-01, v38;
	v12 =	vld.idx.msk [tilespmem:v7+s26+$0x0], $0xffff  }
0xd7: {  	v30 =	vmul.f32 $9.999999380e+02, v30;
	v36 =	vmul.f32 $9.999999380e+02, v36;
	v44 =	vmax.f32 v10, $0.0e+00;
	v10 =	vld.idx.msk [tilespmem:v7+s28+$0x0], $0xffff  }
0xd8: {  	v20 =	vmul.f32 v42, v20;
	v7 =	vmax.f32 v38, $0.0e+00;
	v35 =	vmul.f32 v43, v35  }
0xd9: {  	v22 =	vmul.f32 v44, v22;
	v38 =	vmul.u32 $0x3E8, v23;
	v7 =	vmul.f32 v7, v39  }
0xda: {  	v27 =	vtrunc.f32 v27;
	v39 =	vtrunc.f32 v40;
	v40 =	vmul.u32 $0x3E8, v25  }
0xdb: {  	v26 =	vtrunc.f32 v26;
	v20 =	vadd.f32 v35, v20;
	v7 =	vadd.f32 v7, v22  }
0xdc: {  	v29 =	vtrunc.f32 v29;
	v22 =	vtrunc.f32 v32;
	v32 =	vmul.u32 $0x3E8, v31  }
0xdd: {  	v30 =	vtrunc.f32 v30;
	v35 =	vtrunc.f32 v36;
	v7 =	vadd.f32 v7, v20  }
0xde: {  	v17 =	vcvt.s32.f32 v17;
	v13 =	vcvt.s32.f32 v13;
	s5 =	sadd.s32 $0x80, s5;
	v20 =	vmul.u32 $0x3E8, v34  }
0xdf: {  	v21 =	vcvt.s32.f32 v21;
	v23 =	vcvt.s32.f32 v23;
	[tilespmem:s5+$0x30] =	vst v7  }
0xe0: {  	v15 =	vsub.f32 v15, v17;
	v17 =	vcvt.s32.f32 v31;
	v7 =	vcvt.s32.f32 v25  }
0xe1: {  	v14 =	vsub.f32 v14, v13;
	v13 =	vcvt.s32.f32 v34;
	v25 =	vcvt.f32.s32 v27  }
0xe2: {  	v16 =	vsub.f32 v16, v21;
	v26 =	vcvt.f32.s32 v26;
	v27 =	vcvt.f32.s32 v39  }
0xe3: {  	v21 =	vcvt.f32.s32 v22;
	v22 =	vsub.f32 v24, v23;
	v23 =	vcvt.f32.s32 v29  }
0xe4: {  	v24 =	vcvt.f32.s32 v35;
	v19 =	vsub.f32 v19, v7;
	v7 =	vcvt.f32.s32 v30  }
0xe5: {  	v17 =	vsub.f32 v33, v17;
	v18 =	vsub.f32 v18, v13;
	v25 =	vadd.s32 v25, v28  }
0xe6: {  	v26 =	vadd.s32 v26, v41;
	v29 =	vadd.s32 v21, v38;
	v27 =	vadd.s32 v27, v37  }
0xe7: {  	v31 =	vadd.s32 v23, v40;
	v13 =	vadd.s32 v7, v32;
	v7 =	vadd.s32 v24, v20  }
0xe8: {  	v15 =	vmul.f32 $9.708597060e-01, v15;
	v14 =	vmul.f32 $9.708597060e-01, v14  }
0xe9: {  	v16 =	vmul.f32 $9.708597060e-01, v16;
	v20 =	vmul.f32 $9.708597060e-01, v22  }
0xea: {  	v21 =	vsub.f32 $1.456289550e-02, v15;
	v30 =	vmul.f32 $9.708597060e-01, v17;
	v19 =	vmul.f32 $9.708597060e-01, v19;
	v23 =	vld.idx.msk [tilespmem:v25+s4+$0x0], $0xffff  }
0xeb: {  	v33 =	vmul.f32 $9.708597060e-01, v18;
	v17 =	vadd.f32 $-9.562968010e-01, v15;
	v22 =	vsub.f32 $1.456289550e-02, v14;
	v32 =	vld.idx.msk [tilespmem:v25+s25+$0x0], $0xffff  }
0xec: {  	v18 =	vadd.f32 $-9.562968010e-01, v14;
	v34 =	vmax.f32 v21, $0.0e+00;
	v21 =	vsub.f32 $1.456289550e-02, v16;
	v35 =	vld.idx.msk [tilespmem:v25+s26+$0x0], $0xffff  }
0xed: {  	v36 =	vmax.f32 v17, $0.0e+00;
	v17 =	vadd.f32 $-9.562968010e-01, v16;
	v24 =	vsub.f32 $1.456289550e-02, v20;
	v25 =	vld.idx.msk [tilespmem:v25+s28+$0x0], $0xffff  }
0xee: {  	v37 =	vmax.f32 v22, $0.0e+00;
	v22 =	vadd.f32 $-9.562968010e-01, v20;
	v28 =	vsub.f32 $1.456289550e-02, v19;
	v38 =	vld.idx.msk [tilespmem:v27+s4+$0x0], $0xffff  }
0xef: {  	v39 =	vmax.f32 v18, $0.0e+00;
	v41 =	vsub.f32 $1.456289550e-02, v30;
	v18 =	vadd.f32 $-9.562968010e-01, v19;
	v40 =	vld.idx.msk [tilespmem:v27+s25+$0x0], $0xffff  }
0xf0: {  	v44 =	vsub.f32 $1.456289550e-02, v33;
	v43 =	vmax.f32 v21, $0.0e+00;
	v21 =	vadd.f32 $-9.562968010e-01, v30;
	v42 =	vld.idx.msk [tilespmem:v27+s26+$0x0], $0xffff  }
0xf1: {  	v45 =	vsub.f32 $9.854224920e-01, v15;
	v48 =	vadd.f32 $-9.562968010e-01, v33;
	v47 =	vmax.f32 v17, $0.0e+00;
	v46 =	vld.idx.msk [tilespmem:v27+s28+$0x0], $0xffff  }
0xf2: {  	v49 =	vadd.f32 $1.456289550e-02, v15;
	v50 =	vsub.f32 $9.854224920e-01, v14;
	v52 =	vmax.f32 v24, $0.0e+00;
	v51 =	vld.idx.msk [tilespmem:v26+s4+$0x0], $0xffff  }
0xf3: {  	v54 =	vsub.f32 $9.854224920e-01, v16;
	v53 =	vadd.f32 $1.456289550e-02, v14;
	v56 =	vmax.f32 v22, $0.0e+00;
	v55 =	vld.idx.msk [tilespmem:v26+s25+$0x0], $0xffff  }
0xf4: {  	v57 =	vadd.f32 $1.456289550e-02, v16;
	v59 =	vsub.f32 $9.854224920e-01, v20;
	v24 =	vmax.f32 v28, $0.0e+00;
	v58 =	vld.idx.msk [tilespmem:v26+s26+$0x0], $0xffff  }
0xf5: {  	v61 =	vadd.f32 $1.456289550e-02, v20;
	v28 =	vsub.f32 $9.854224920e-01, v19;
	v22 =	vmax.f32 v18, $0.0e+00;
	v60 =	vld.idx.msk [tilespmem:v26+s28+$0x0], $0xffff  }
0xf6: {  	v17 =	vsub.f32 $9.854224920e-01, v30;
	v27 =	vadd.f32 $1.456289550e-02, v19;
	v19 =	vmax.f32 v41, $0.0e+00;
	v62 =	vld.idx.msk [tilespmem:v29+s4+$0x0], $0xffff  }
0xf7: {  	v20 =	vadd.f32 $1.456289550e-02, v30;
	v21 =	vmax.f32 v21, $0.0e+00;
	v18 =	vsub.f32 $9.854224920e-01, v33;
	v41 =	vld.idx.msk [tilespmem:v29+s25+$0x0], $0xffff  }
0xf8: {  	v15 =	vmax.f32 v44, $0.0e+00;
	v16 =	vadd.f32 $1.456289550e-02, v33;
	v14 =	vmax.f32 v48, $0.0e+00;
	v63 =	vld.idx.msk [tilespmem:v29+s26+$0x0], $0xffff  }
0xf9: {  	v30 =	vmul.f32 v49, v35;
	v26 =	vmul.f32 v45, v32;
	v44 =	vld.idx.msk [tilespmem:v29+s28+$0x0], $0xffff  }
0xfa: {  	v23 =	vmul.f32 v34, v23;
	v25 =	vmul.f32 v36, v25;
	v33 =	vld.idx.msk [tilespmem:v31+s4+$0x0], $0xffff  }
0xfb: {  	v30 =	vadd.f32 v30, v26;
	v26 =	vmul.f32 v50, v40;
	v29 =	vmul.f32 v53, v42;
	v36 =	vld.idx.msk [tilespmem:v31+s25+$0x0], $0xffff  }
.Ltmp5:
0xfc: {  	v32 =	vadd.f32 v25, v23;
	v25 =	vmul.f32 v37, v38;
	v34 =	vmul.f32 v39, v46;
	v38 =	vld.idx.msk [tilespmem:v31+s26+$0x0], $0xffff;
	(pc) =	sbr.rel @p1 .LBB2_4-.Ltmp5, $4  }
0xfd: {  	v37 =	vmul.f32 v57, v58;
	v23 =	vadd.f32 v29, v26;
	v29 =	vmul.f32 v54, v55;
	v35 =	vld.idx.msk [tilespmem:v31+s28+$0x0], $0xffff  }
0xfe: {  	v42 =	vmul.f32 v43, v51;
	v43 =	vmul.f32 v47, v60;
	v26 =	vadd.f32 v34, v25;
	v31 =	vld.idx.msk [tilespmem:v13+s4+$0x0], $0xffff  }
0xff: {  	v39 =	vmul.f32 v59, v41;
	v25 =	vadd.f32 v37, v29;
	v40 =	vmul.f32 v61, v63;
	v34 =	vld.idx.msk [tilespmem:v13+s25+$0x0], $0xffff  }
0x100: {  	s10 =	sadd.s32 $0x80, s10;
	v41 =	vmul.f32 v52, v62;
	v29 =	vadd.f32 v43, v42;
	v42 =	vmul.f32 v56, v44;
	v37 =	vld.idx.msk [tilespmem:v13+s26+$0x0], $0xffff  }
0x101: {  	_ =	sdelay $0x2  }
0x102: {  	v28 =	vmul.f32 v28, v36  }
0x103: {  	v39 =	vadd.f32 v40, v39;
	v24 =	vmul.f32 v24, v33;
	v27 =	vmul.f32 v27, v38;
	v13 =	vld.idx.msk [tilespmem:v13+s28+$0x0], $0xffff  }
0x104: {  	v0 =	vmul.f32 v0, v9;
	v44 =	vadd.f32 v32, v30;
	v45 =	vld.idx.msk [tilespmem:v7+s4+$0x0], $0xffff;
	v1 =	vmul.f32 v1, v11  }
0x105: {  	v2 =	vmul.f32 v2, v12;
	v47 =	vld.idx.msk [tilespmem:v7+s25+$0x0], $0xffff;
	v4 =	vmul.f32 v4, v8;
	v52 =	vadd.f32 v26, v23  }
0x106: {  	v48 =	vld.idx.msk [tilespmem:v7+s26+$0x0], $0xffff;
	v3 =	vmul.f32 v3, v10;
	v43 =	vadd.f32 v42, v41;
	v53 =	vadd.f32 v29, v25  }
0x107: {  	v49 =	vld.idx.msk [tilespmem:v7+s28+$0x0], $0xffff;
	v22 =	vmul.f32 v22, v35;
	v46 =	vadd.f32 v27, v28;
	v0 =	vadd.f32 v0, v5  }
0x108: {  	v1 =	vadd.f32 v2, v1;
	v51 =	vmul.f32 v19, v31;
	v3 =	vadd.f32 v3, v4  }
0x109: {  	v22 =	vadd.f32 v22, v24;
	v17 =	vmul.f32 v17, v34;
	v54 =	vadd.f32 v43, v39  }
0x10a: {  	[tilespmem:s5+$0xFFFFFFC0] =	vst v44;
	v20 =	vmul.f32 v20, v37;
	v0 =	vadd.f32 v0, v6;
	v55 =	vmul.f32 v21, v13  }
0x10b: {  	[tilespmem:s5+$0xFFFFFFD0] =	vst v52;
	v1 =	vadd.f32 v3, v1;
	v57 =	vmul.f32 v18, v47;
	v58 =	vmul.f32 v16, v48  }
0x10c: {  	[tilespmem:s5+$0xFFFFFFE0] =	vst v53;
	v56 =	vadd.f32 v22, v46;
	v59 =	vmul.f32 v15, v45;
	v5 =	vmul.f32 v14, v49  }
0x10d: {  	[tilespmem:s5+$0xFFFFFFF0] =	vst v54;
	v50 =	vadd.f32 v20, v17;
	v60 =	vadd.f32 v55, v51  }
0x10e: {  	[tilespmem:s18+$0x10] =	vst v0;
	v61 =	vadd.f32 v58, v57;
	v5 =	vadd.f32 v5, v59  }
0x10f: {  	[tilespmem:s18+$0x20] =	vst v1;
	v62 =	vadd.f32 v60, v50  }
0x110: {  	[tilespmem:s5+$0x0] =	vst v56;
	v63 =	vadd.f32 v5, v61  }
0x111: {  	[tilespmem:s5+$0x10] =	vst v62  }
0x112: {  	s19 =	sadd.s32 s9, s13;
	[tilespmem:s5+$0x20] =	vst v63;
	s5 =	sadd.s32 $0x2, s15  }
0x113: {  	[hbm4b:s19+s4] =	stream.linear.scatter [tilespmem:s29], [sflag:$0x3], $0x1000, $0x38;
	[tilespmem:$0xA680] =	vst v63  }
0x114: {  	p1 =	sge.u32 s5, s6  }
0x115: {  	s5 =	sshll.u32 @!p1 s5, $0xE  }
0x116: {  	s5 =	sor.u32 @!p1 s7, s5  }
0x117: {  	s10 =	simm.s32 @!p1 $0x0;
	s11 =	simm.s32 @!p1 $0x4680;
	s9 =	sadd.s32 @!p1 s1, s5  }
0x118: {  	[tilespmem:s11], [sflag:$0x1] =	stream.linear.gather @!p1 [hbm4b:s9+s10], $0x1000, $0x38;
	[tilespmem:$0xA680] =	vst v63  }
0x119: {  	s5 =	sadd.s32 @!p1 s2, s5;
	s9 =	simm.s32 @!p1 $0x5680  }
0x11a: {  	[tilespmem:s9], [sflag:$0x2] =	stream.linear.gather @!p1 [hbm4b:s5+s10], $0x1000, $0x38;
	[tilespmem:$0xA680] =	vst v63  }
.LBB2_6:
0x11b: {  	s18 =	sor.u32 $0x1, s15  }
0x11c: {  	p1 =	sge.u32 s18, s6  }
.Ltmp6:
0x11d: {  	_ = 	snop;
	(pc) =	sbr.rel @p1 .LBB2_10-.Ltmp6, $1  }
0x11e: {  	_ =	sdelay $0x3  }
0x11f: {  	_ =	swait.ge [sflag:s30], $0x1000  }
0x120: {  	[sflag:s30] =	ssyncset.done $0x0  }
0x121: {  	[sflag:s30] =	ssyncadd.s32 $0xFFFFF000  }
0x122: {  	_ =	swait.ge [sflag:s31], $0x1000  }
0x123: {  	p1 =	seq.s32 s14, $0x0;
	[sflag:s31] =	ssyncset.done $0x0  }
0x124: {  	s5 =	simm.s32 @!p1 $0x6;
	[sflag:s31] =	ssyncadd.s32 $0xFFFFF000  }
0x125: {  	_ =	swait.ge @!p1 [sflag:s5], $0x1000  }
0x126: {  	[sflag:s5] =	ssyncset.done @!p1 $0x0  }
0x127: {  	s16 =	simm.s32 $0x86C0;
	[sflag:s5] =	ssyncadd.s32 @!p1 $0xFFFFF000  }
0x128: {  	v0 =	vld [tilespmem:s16+$0x30]  }
0x129: {  	s9 =	simm.s32 $0x76C0;
	v1 =	vld [tilespmem:s16+$0xFFFFFFC0]  }
0x12a: {  	v2 =	vld [tilespmem:s9+$0x30]  }
0x12b: {  	v3 =	vld [tilespmem:s16+$0xFFFFFFD0]  }
0x12c: {  	v4 =	vld [tilespmem:s16+$0xFFFFFFE0]  }
0x12d: {  	v5 =	vld [tilespmem:s16+$0xFFFFFFF0]  }
0x12e: {  	v6 =	vld [tilespmem:s16+$0x0]  }
0x12f: {  	v7 =	vld [tilespmem:s16+$0x10]  }
0x130: {  	v9 =	vld [tilespmem:s16+$0x20]  }
0x131: {  	v10 =	vld [tilespmem:s9+$0xFFFFFFD0]  }
0x132: {  	v13 =	vld [tilespmem:s9+$0xFFFFFFE0]  }
0x133: {  	v15 =	vld [tilespmem:s9+$0xFFFFFFF0]  }
0x134: {  	v19 =	vld [tilespmem:s9+$0xFFFFFFC0];
	v0 =	vmul.f32 $1.500000000e+01, v0  }
0x135: {  	v16 =	vld [tilespmem:s9+$0x0];
	v1 =	vmul.f32 $1.500000000e+01, v1;
	v2 =	vmul.f32 $9.999999380e+02, v2  }
0x136: {  	v22 =	vld [tilespmem:s9+$0x10];
	v3 =	vmul.f32 $1.500000000e+01, v3;
	v4 =	vmul.f32 $1.500000000e+01, v4  }
0x137: {  	v23 =	vld [tilespmem:s9+$0x20];
	v5 =	vmul.f32 $1.500000000e+01, v5;
	v6 =	vmul.f32 $1.500000000e+01, v6  }
0x138: {  	v7 =	vmul.f32 $1.500000000e+01, v7;
	v9 =	vmul.f32 $1.500000000e+01, v9  }
0x139: {  	v19 =	vmul.f32 $9.999999380e+02, v19;
	v10 =	vmul.f32 $9.999999380e+02, v10  }
0x13a: {  	v13 =	vmul.f32 $9.999999380e+02, v13;
	v15 =	vmul.f32 $9.999999380e+02, v15  }
0x13b: {  	v16 =	vmul.f32 $9.999999380e+02, v16;
	v22 =	vmul.f32 $9.999999380e+02, v22  }
0x13c: {  	v23 =	vmul.f32 $9.999999380e+02, v23;
	v8 =	vtrunc.f32 v0  }
0x13d: {  	v2 =	vtrunc.f32 v2;
	v12 =	vtrunc.f32 v1  }
0x13e: {  	v14 =	vtrunc.f32 v3;
	v17 =	vtrunc.f32 v5  }
0x13f: {  	v18 =	vtrunc.f32 v6;
	v8 =	vcvt.f32.s32 v8  }
0x140: {  	v20 =	vtrunc.f32 v7;
	v21 =	vtrunc.f32 v9  }
0x141: {  	v10 =	vtrunc.f32 v10;
	v2 =	vcvt.f32.s32 v2;
	v11 =	vmul.u32 $0x3E8, v8  }
0x142: {  	v13 =	vtrunc.f32 v13;
	v15 =	vtrunc.f32 v15  }
0x143: {  	v16 =	vtrunc.f32 v16;
	v22 =	vtrunc.f32 v22;
	v2 =	vadd.s32 v2, v11  }
0x144: {  	v23 =	vtrunc.f32 v23;
	v12 =	vcvt.f32.s32 v12  }
0x145: {  	v8 =	vcvt.s32.f32 v8;
	v11 =	vtrunc.f32 v4  }
0x146: {  	v24 =	vcvt.f32.s32 v14;
	v11 =	vcvt.f32.s32 v11  }
0x147: {  	v17 =	vcvt.f32.s32 v17;
	v18 =	vcvt.f32.s32 v18;
	v0 =	vsub.f32 v0, v8  }
0x148: {  	v20 =	vcvt.f32.s32 v20;
	v28 =	vmul.u32 $0x3E8, v11;
	v11 =	vcvt.s32.f32 v11;
	v14 =	vld.idx.msk [tilespmem:v2+s4+$0x0], $0xffff  }
0x149: {  	v21 =	vcvt.f32.s32 v21;
	v0 =	vmul.f32 $9.708597060e-01, v0;
	v8 =	vld.idx.msk [tilespmem:v2+s25+$0x0], $0xffff  }
0x14a: {  	v13 =	vcvt.f32.s32 v13;
	v25 =	vmul.u32 $0x3E8, v12;
	v26 =	vld.idx.msk [tilespmem:v2+s26+$0x0], $0xffff;
	v4 =	vsub.f32 v4, v11  }
0x14b: {  	v27 =	vmul.u32 $0x3E8, v24;
	v29 =	vsub.f32 $9.854224920e-01, v0;
	v30 =	vsub.f32 $1.456289550e-02, v0;
	v2 =	vld.idx.msk [tilespmem:v2+s28+$0x0], $0xffff  }
0x14c: {  	v31 =	vadd.f32 $1.456289550e-02, v0;
	v0 =	vadd.f32 $-9.562968010e-01, v0;
	v4 =	vmul.f32 $9.708597060e-01, v4  }
0x14d: {  	v11 =	vcvt.f32.s32 v15;
	v13 =	vadd.s32 v13, v28;
	v30 =	vmax.f32 v30, $0.0e+00  }
0x14e: {  	v0 =	vmax.f32 v0, $0.0e+00;
	v42 =	vsub.f32 $9.854224920e-01, v4;
	v8 =	vmul.f32 v29, v8  }
0x14f: {  	v44 =	vadd.f32 $1.456289550e-02, v4;
	v26 =	vmul.f32 v31, v26;
	v14 =	vmul.f32 v30, v14  }
0x150: {  	v29 =	vmul.u32 $0x3E8, v17;
	v0 =	vmul.f32 v0, v2;
	v2 =	vtrunc.f32 v19  }
0x151: {  	v19 =	vmul.u32 $0x3E8, v18;
	v17 =	vcvt.s32.f32 v17;
	v2 =	vcvt.f32.s32 v2  }
0x152: {  	v8 =	vadd.f32 v26, v8;
	v0 =	vadd.f32 v0, v14;
	v26 =	vmul.u32 $0x3E8, v20  }
0x153: {  	v5 =	vsub.f32 v5, v17;
	v17 =	vcvt.f32.s32 v23;
	v2 =	vadd.s32 v2, v25  }
0x154: {  	v28 =	vld.idx.msk [tilespmem:v13+s4+$0x0], $0xffff;
	v25 =	vsub.f32 $1.456289550e-02, v4;
	v61 =	vadd.f32 v0, v8;
	v0 =	vcvt.s32.f32 v12  }
0x155: {  	s16 =	simm.s32 $0x7740;
	v11 =	vadd.s32 v11, v29;
	v8 =	vcvt.s32.f32 v24;
	v12 =	vmul.u32 $0x3E8, v21  }
0x156: {  	v52 =	vld [tilespmem:s16+$0xFFFFFFF0];
	v5 =	vmul.f32 $9.708597060e-01, v5;
	v25 =	vmax.f32 v25, $0.0e+00;
	v0 =	vsub.f32 v1, v0  }
0x157: {  	v54 =	vld [tilespmem:s16+$0xFFFFFFC0];
	v1 =	vcvt.s32.f32 v18;
	v3 =	vsub.f32 v3, v8;
	v8 =	vcvt.f32.s32 v10  }
0x158: {  	v56 =	vld [tilespmem:s16+$0x10];
	v18 =	vcvt.s32.f32 v20;
	v10 =	vcvt.s32.f32 v21;
	v29 =	vadd.f32 $-9.562968010e-01, v5  }
0x159: {  	v31 =	vld.idx.msk [tilespmem:v13+s25+$0x0], $0xffff;
	v45 =	vsub.f32 $9.854224920e-01, v5;
	v25 =	vmul.f32 v25, v28;
	v15 =	vadd.s32 v8, v27  }
0x15a: {  	v34 =	vld.idx.msk [tilespmem:v13+s26+$0x0], $0xffff;
	v8 =	vcvt.f32.s32 v16;
	v1 =	vsub.f32 v6, v1;
	v6 =	vcvt.f32.s32 v22  }
0x15b: {  	v13 =	vld.idx.msk [tilespmem:v13+s28+$0x0], $0xffff;
	v18 =	vsub.f32 v7, v18;
	v9 =	vsub.f32 v9, v10;
	v0 =	vmul.f32 $9.708597060e-01, v0  }
0x15c: {  	v39 =	vld.idx.msk [tilespmem:v11+s4+$0x0], $0xffff;
	v3 =	vmul.f32 $9.708597060e-01, v3;
	v7 =	vadd.s32 v17, v12;
	v27 =	vsub.f32 $1.456289550e-02, v5  }
0x15d: {  	v41 =	vld.idx.msk [tilespmem:v11+s25+$0x0], $0xffff;
	v29 =	vmax.f32 v29, $0.0e+00;
	v5 =	vadd.f32 $1.456289550e-02, v5;
	v19 =	vadd.s32 v8, v19  }
0x15e: {  	v43 =	vld.idx.msk [tilespmem:v11+s26+$0x0], $0xffff;
	v8 =	vadd.s32 v6, v26;
	v12 =	vsub.f32 $1.456289550e-02, v0;
	v21 =	vadd.f32 $-9.562968010e-01, v0  }
0x15f: {  	v11 =	vld.idx.msk [tilespmem:v11+s28+$0x0], $0xffff;
	v1 =	vmul.f32 $9.708597060e-01, v1;
	v22 =	vsub.f32 $1.456289550e-02, v3;
	v24 =	vadd.f32 $-9.562968010e-01, v3  }
0x160: {  	v16 =	vld.idx.msk [tilespmem:v2+s4+$0x0], $0xffff;
	v17 =	vmul.f32 $9.708597060e-01, v18;
	v26 =	vadd.f32 $-9.562968010e-01, v4;
	v37 =	vsub.f32 $9.854224920e-01, v0  }
0x161: {  	v10 =	vld.idx.msk [tilespmem:v2+s25+$0x0], $0xffff;
	v9 =	vmul.f32 $9.708597060e-01, v9;
	v0 =	vadd.f32 $1.456289550e-02, v0;
	v40 =	vsub.f32 $9.854224920e-01, v3  }
0x162: {  	v20 =	vld.idx.msk [tilespmem:v2+s26+$0x0], $0xffff;
	v27 =	vmax.f32 v27, $0.0e+00;
	v3 =	vadd.f32 $1.456289550e-02, v3;
	v12 =	vmax.f32 v12, $0.0e+00  }
0x163: {  	v2 =	vld.idx.msk [tilespmem:v2+s28+$0x0], $0xffff;
	v21 =	vmax.f32 v21, $0.0e+00;
	v30 =	vsub.f32 $1.456289550e-02, v1;
	v32 =	vadd.f32 $-9.562968010e-01, v1  }
0x164: {  	v22 =	vmax.f32 v22, $0.0e+00;
	v33 =	vsub.f32 $1.456289550e-02, v17;
	v35 =	vadd.f32 $-9.562968010e-01, v17;
	v6 =	vld.idx.msk [tilespmem:v15+s4+$0x0], $0xffff  }
0x165: {  	v24 =	vmax.f32 v24, $0.0e+00;
	v36 =	vsub.f32 $1.456289550e-02, v9;
	v38 =	vadd.f32 $-9.562968010e-01, v9;
	v18 =	vld.idx.msk [tilespmem:v15+s25+$0x0], $0xffff  }
0x166: {  	v26 =	vmax.f32 v26, $0.0e+00;
	v46 =	vsub.f32 $9.854224920e-01, v1;
	v48 =	vadd.f32 $1.456289550e-02, v1;
	v23 =	vld.idx.msk [tilespmem:v15+s26+$0x0], $0xffff  }
0x167: {  	s19 =	simm.s32 $0x8740;
	v49 =	vsub.f32 $9.854224920e-01, v17;
	v28 =	vmul.f32 v5, v43;
	v15 =	vld.idx.msk [tilespmem:v15+s28+$0x0], $0xffff;
	v10 =	vmul.f32 v37, v10  }
0x168: {  	v17 =	vadd.f32 $1.456289550e-02, v17;
	v20 =	vmul.f32 v0, v20;
	v13 =	vmul.f32 v26, v13;
	v26 =	vld [tilespmem:s19+$0x30]  }
0x169: {  	v1 =	vsub.f32 $9.854224920e-01, v9;
	v12 =	vmul.f32 v12, v16;
	v16 =	vmul.f32 v21, v2;
	v47 =	vld.idx.msk [tilespmem:v19+s4+$0x0], $0xffff  }
0x16a: {  	v11 =	vmul.f32 v29, v11;
	v37 =	vmul.f32 $9.999999380e+02, v52;
	v50 =	vld.idx.msk [tilespmem:v19+s25+$0x0], $0xffff;
	v10 =	vadd.f32 v20, v10  }
0x16b: {  	v63 =	vld.idx.msk [tilespmem:v19+s26+$0x0], $0xffff;
	v20 =	vmul.f32 v45, v41;
	v12 =	vadd.f32 v16, v12;
	v16 =	vmul.f32 v27, v39  }
0x16c: {  	v2 =	vadd.f32 $1.456289550e-02, v9;
	v19 =	vld.idx.msk [tilespmem:v19+s28+$0x0], $0xffff;
	v39 =	vmul.f32 $9.999999380e+02, v54;
	v41 =	vmul.f32 $9.999999380e+02, v56  }
0x16d: {  	v30 =	vmax.f32 v30, $0.0e+00;
	v32 =	vmax.f32 v32, $0.0e+00;
	v45 =	vld [tilespmem:s19+$0xFFFFFFC0];
	v37 =	vtrunc.f32 v37  }
0x16e: {  	v33 =	vmax.f32 v33, $0.0e+00;
	v27 =	vld [tilespmem:s16+$0x30];
	v52 =	vtrunc.f32 v39;
	v54 =	vtrunc.f32 v41  }
0x16f: {  	v20 =	vadd.f32 v28, v20;
	v28 =	vld [tilespmem:s19+$0x0];
	v18 =	vmul.f32 v40, v18;
	v21 =	vmul.f32 v3, v23  }
0x170: {  	v11 =	vadd.f32 v11, v16;
	v16 =	vld [tilespmem:s19+$0x10];
	v6 =	vmul.f32 v22, v6;
	v9 =	vmul.f32 v24, v15  }
0x171: {  	v13 =	vadd.f32 v13, v25;
	v23 =	vld.idx.msk [tilespmem:v8+s4+$0x0], $0xffff;
	v22 =	vmul.f32 v42, v31;
	v25 =	vmul.f32 $1.500000000e+01, v26  }
0x172: {  	v15 =	vld.idx.msk [tilespmem:v8+s25+$0x0], $0xffff;
	v18 =	vadd.f32 v21, v18;
	v21 =	vmul.f32 v46, v50;
	v29 =	vmul.f32 v30, v47  }
0x173: {  	v31 =	vld.idx.msk [tilespmem:v8+s26+$0x0], $0xffff;
	v9 =	vadd.f32 v9, v6;
	v6 =	vmul.f32 v48, v63;
	v27 =	vmul.f32 $9.999999380e+02, v27  }
0x174: {  	v0 =	vmax.f32 v35, $0.0e+00;
	v19 =	vmul.f32 v32, v19;
	v26 =	vmul.f32 $1.500000000e+01, v45  }
0x175: {  	v24 =	vmul.f32 v44, v34;
	v30 =	vld [tilespmem:s19+$0xFFFFFFD0];
	v21 =	vadd.f32 v6, v21;
	v6 =	vtrunc.f32 v27  }
0x176: {  	v47 =	vld [tilespmem:s19+$0xFFFFFFE0];
	v27 =	vadd.f32 v19, v29;
	v29 =	vtrunc.f32 v26;
	v28 =	vmul.f32 $1.500000000e+01, v28  }
0x177: {  	v22 =	vadd.f32 v24, v22;
	v24 =	vld [tilespmem:s19+$0xFFFFFFF0];
	v35 =	vmul.f32 $1.500000000e+01, v16;
	v5 =	vmul.f32 v33, v23  }
0x178: {  	v48 =	vld [tilespmem:s16+$0xFFFFFFD0];
	v23 =	vmul.f32 v49, v15;
	v17 =	vmul.f32 v17, v31  }
0x179: {  	v4 =	vmax.f32 v36, $0.0e+00;
	v31 =	vtrunc.f32 v25;
	v19 =	vcvt.f32.s32 v6  }
0x17a: {  	v15 =	vadd.f32 v12, v10;
	v29 =	vcvt.f32.s32 v29;
	v12 =	vcvt.f32.s32 v31  }
0x17b: {  	v3 =	vmax.f32 v38, $0.0e+00;
	v55 =	vtrunc.f32 v35;
	v30 =	vmul.f32 $1.500000000e+01, v30  }
0x17c: {  	v10 =	vld [tilespmem:s19+$0x20];
	v31 =	vmul.f32 $1.500000000e+01, v47;
	v24 =	vmul.f32 $1.500000000e+01, v24;
	v6 =	vadd.f32 v17, v23  }
0x17d: {  	v17 =	vadd.f32 v13, v22;
	v32 =	vmul.f32 $9.999999380e+02, v48;
	v49 =	vmul.u32 $0x3E8, v12  }
0x17e: {  	v59 =	vmul.u32 $0x3E8, v29;
	v29 =	vcvt.s32.f32 v29;
	v50 =	vtrunc.f32 v30  }
0x17f: {  	v51 =	vtrunc.f32 v31;
	v53 =	vtrunc.f32 v24;
	v33 =	vadd.s32 v19, v49  }
0x180: {  	v32 =	vtrunc.f32 v32;
	v26 =	vsub.f32 v26, v29;
	v29 =	vcvt.f32.s32 v52  }
0x181: {  	v23 =	vld [tilespmem:s16+$0xFFFFFFE0];
	v10 =	vmul.f32 $1.500000000e+01, v10;
	v19 =	vadd.f32 v9, v18;
	v9 =	vtrunc.f32 v28  }
0x182: {  	v13 =	vld [tilespmem:s16+$0x0];
	v18 =	vadd.f32 v11, v20;
	v11 =	vcvt.s32.f32 v12;
	v12 =	vcvt.f32.s32 v50  }
0x183: {  	v16 =	vadd.f32 v27, v21;
	v21 =	vcvt.f32.s32 v51;
	v27 =	vcvt.f32.s32 v53  }
0x184: {  	v9 =	vcvt.f32.s32 v9;
	v26 =	vmul.f32 $9.708597060e-01, v26;
	v11 =	vsub.f32 v25, v11;
	v57 =	vld.idx.msk [tilespmem:v33+s4+$0x0], $0xffff  }
0x185: {  	v22 =	vtrunc.f32 v10;
	v25 =	vcvt.f32.s32 v55;
	v62 =	vmul.u32 $0x3E8, v12;
	v58 =	vld.idx.msk [tilespmem:v33+s25+$0x0], $0xffff  }
0x186: {  	v23 =	vmul.f32 $9.999999380e+02, v23;
	v63 =	vmul.u32 $0x3E8, v21;
	v11 =	vmul.f32 $9.708597060e-01, v11;
	v60 =	vld.idx.msk [tilespmem:v33+s26+$0x0], $0xffff  }
0x187: {  	v13 =	vmul.f32 $9.999999380e+02, v13;
	v51 =	vmul.u32 $0x3E8, v27;
	v12 =	vcvt.s32.f32 v12;
	v33 =	vld.idx.msk [tilespmem:v33+s28+$0x0], $0xffff  }
0x188: {  	v22 =	vcvt.f32.s32 v22;
	v48 =	vsub.f32 $9.854224920e-01, v11;
	v49 =	vsub.f32 $1.456289550e-02, v11  }
0x189: {  	v20 =	vld [tilespmem:s16+$0x20];
	v56 =	vcvt.s32.f32 v9;
	v50 =	vadd.f32 $1.456289550e-02, v11;
	v11 =	vadd.f32 $-9.562968010e-01, v11  }
0x18a: {  	v23 =	vtrunc.f32 v23;
	v13 =	vtrunc.f32 v13;
	v45 =	vmax.f32 v49, $0.0e+00  }
0x18b: {  	v11 =	vmax.f32 v11, $0.0e+00;
	v36 =	vmul.f32 v48, v58;
	v40 =	vmul.f32 v50, v60  }
0x18c: {  	v55 =	vmul.u32 $0x3E8, v25;
	v34 =	vmul.f32 v45, v57;
	v11 =	vmul.f32 v11, v33  }
0x18d: {  	v25 =	vcvt.s32.f32 v25;
	v30 =	vsub.f32 v30, v12;
	v12 =	vcvt.f32.s32 v32  }
0x18e: {  	v20 =	vmul.f32 $9.999999380e+02, v20;
	v36 =	vadd.f32 v40, v36;
	v11 =	vadd.f32 v11, v34  }
0x18f: {  	v53 =	vmul.u32 $0x3E8, v9;
	v23 =	vcvt.f32.s32 v23;
	v13 =	vcvt.f32.s32 v13  }
0x190: {  	v14 =	vadd.f32 v11, v36;
	v11 =	vcvt.s32.f32 v21;
	v21 =	vcvt.s32.f32 v27  }
0x191: {  	v25 =	vsub.f32 v35, v25;
	v20 =	vtrunc.f32 v20;
	v23 =	vadd.s32 v23, v63  }
0x192: {  	v9 =	vld.idx.msk [tilespmem:v8+s28+$0x0], $0xffff;
	v20 =	vcvt.f32.s32 v20;
	v58 =	vadd.s32 v12, v62;
	v21 =	vsub.f32 v24, v21  }
0x193: {  	v8 =	vld.idx.msk [tilespmem:v7+s4+$0x0], $0xffff;
	v24 =	vsub.f32 v28, v56;
	v28 =	vadd.s32 v29, v59;
	v29 =	vcvt.f32.s32 v54  }
0x194: {  	v12 =	vld.idx.msk [tilespmem:v7+s26+$0x0], $0xffff;
	v34 =	vadd.s32 v13, v53;
	v27 =	vmul.u32 $0x3E8, v22;
	v22 =	vcvt.s32.f32 v22  }
0x195: {  	v31 =	vsub.f32 v31, v11;
	v11 =	vld.idx.msk [tilespmem:v7+s25+$0x0], $0xffff;
	v13 =	vadd.s32 v29, v55;
	v29 =	vsub.f32 $1.456289550e-02, v26  }
0x196: {  	v25 =	vmul.f32 $9.708597060e-01, v25;
	v57 =	vcvt.f32.s32 v37;
	v22 =	vsub.f32 v10, v22;
	v10 =	vld.idx.msk [tilespmem:v7+s28+$0x0], $0xffff  }
0x197: {  	v7 =	vadd.s32 v20, v27;
	v20 =	vmul.f32 $9.708597060e-01, v30;
	v30 =	vmax.f32 v29, $0.0e+00;
	v29 =	vld.idx.msk [tilespmem:v58+s4+$0x0], $0xffff  }
0x198: {  	v49 =	vsub.f32 $1.456289550e-02, v25;
	v32 =	vadd.s32 v57, v51;
	v51 =	vadd.f32 $-9.562968010e-01, v25  }
0x199: {  	v53 =	vsub.f32 $9.854224920e-01, v26;
	v27 =	vmul.f32 $9.708597060e-01, v31;
	v21 =	vmul.f32 $9.708597060e-01, v21;
	v36 =	vld.idx.msk [tilespmem:v28+s4+$0x0], $0xffff  }
0x19a: {  	v31 =	vmul.f32 $9.708597060e-01, v24;
	v24 =	vadd.f32 $-9.562968010e-01, v26;
	v59 =	vsub.f32 $1.456289550e-02, v20;
	v35 =	vld.idx.msk [tilespmem:v28+s25+$0x0], $0xffff  }
0x19b: {  	v38 =	vmul.f32 $9.708597060e-01, v22;
	v22 =	vadd.f32 $-9.562968010e-01, v20;
	v26 =	vadd.f32 $1.456289550e-02, v26;
	v39 =	vld.idx.msk [tilespmem:v28+s26+$0x0], $0xffff  }
0x19c: {  	v57 =	vsub.f32 $9.854224920e-01, v20;
	v60 =	vsub.f32 $1.456289550e-02, v27;
	v41 =	vld.idx.msk [tilespmem:v28+s28+$0x0], $0xffff;
	[tilespmem:$0x1FFE0] =	vst v29  }
0x19d: {  	v42 =	vmax.f32 v24, $0.0e+00;
	v24 =	vsub.f32 $1.456289550e-02, v21;
	v44 =	vadd.f32 $-9.562968010e-01, v21;
	v46 =	vld.idx.msk [tilespmem:v58+s25+$0x0], $0xffff  }
0x19e: {  	v45 =	vsub.f32 $1.456289550e-02, v31;
	v47 =	vadd.f32 $-9.562968010e-01, v31;
	v50 =	vld.idx.msk [tilespmem:v58+s26+$0x0], $0xffff  }
0x19f: {  	s19 =	simm.s32 $0x96C0;
	v43 =	vmax.f32 v59, $0.0e+00;
	v52 =	vsub.f32 $1.456289550e-02, v38;
	v59 =	vadd.f32 $1.456289550e-02, v20;
	v54 =	vld.idx.msk [tilespmem:v58+s28+$0x0], $0xffff  }
0x1a0: {  	v48 =	vmax.f32 v22, $0.0e+00;
	v62 =	vadd.f32 $1.456289550e-02, v27;
	v28 =	vadd.f32 $-9.562968010e-01, v27;
	v56 =	vld.idx.msk [tilespmem:v23+s4+$0x0], $0xffff;
	[tilespmem:s19+$0x30] =	vst v61  }
0x1a1: {  	v37 =	vsub.f32 $9.854224920e-01, v21;
	v20 =	vadd.f32 $1.456289550e-02, v25;
	v40 =	vmax.f32 v60, $0.0e+00;
	v60 =	vld.idx.msk [tilespmem:v23+s25+$0x0], $0xffff;
	[tilespmem:s19+$0xFFFFFFC0] =	vst v15  }
0x1a2: {  	v22 =	vmax.f32 v47, $0.0e+00;
	v55 =	vmax.f32 v28, $0.0e+00;
	v28 =	vsub.f32 $9.854224920e-01, v31;
	v63 =	vld.idx.msk [tilespmem:v23+s26+$0x0], $0xffff;
	[tilespmem:s19+$0xFFFFFFD0] =	vst v19  }
0x1a3: {  	v29 =	vadd.f32 $1.456289550e-02, v21;
	v21 =	vmax.f32 v51, $0.0e+00;
	v61 =	vsub.f32 $9.854224920e-01, v27;
	v47 =	vld.idx.msk [tilespmem:v32+s4+$0x0], $0xffff;
	[tilespmem:s19+$0xFFFFFFE0] =	vst v17  }
0x1a4: {  	v17 =	vsub.f32 $9.854224920e-01, v25;
	v19 =	vmax.f32 v49, $0.0e+00;
	v49 =	vld.idx.msk [tilespmem:v32+s25+$0x0], $0xffff;
	[tilespmem:s19+$0xFFFFFFF0] =	vst v18;
	v25 =	vmul.f32 v26, v39  }
0x1a5: {  	s5 =	simm.s32 $0x9740;
	v27 =	vadd.f32 $1.456289550e-02, v31;
	v51 =	vld.idx.msk [tilespmem:v32+s26+$0x0], $0xffff;
	[tilespmem:s19+$0x0] =	vst v16;
	v26 =	vmul.f32 v30, v36;
	v31 =	vmul.f32 v42, v41  }
0x1a6: {  	v15 =	vmax.f32 v52, $0.0e+00;
	v52 =	vld.idx.msk [tilespmem:v32+s28+$0x0], $0xffff;
	[tilespmem:s5+$0x30] =	vst v14  }
0x1a7: {  	v33 =	vadd.f32 $-9.562968010e-01, v38;
	v32 =	vadd.f32 v31, v26;
	v26 =	vld [tilespmem:$0x1FFE0]  }
0x1a8: {  	v58 =	vmax.f32 v24, $0.0e+00;
	v24 =	vmax.f32 v45, $0.0e+00;
	v45 =	vld.idx.msk [tilespmem:v23+s28+$0x0], $0xffff;
	v23 =	vmul.f32 v53, v35;
	_ =	sdelay $0x1  }
0x1a9: {  	v14 =	vmax.f32 v33, $0.0e+00;
	v33 =	vld.idx.msk [tilespmem:v34+s4+$0x0], $0xffff;
	v30 =	vadd.f32 v25, v23;
	v23 =	vmul.f32 v57, v46  }
0x1aa: {  	v18 =	vsub.f32 $9.854224920e-01, v38;
	v36 =	vld.idx.msk [tilespmem:v34+s25+$0x0], $0xffff;
	v25 =	vmul.f32 v59, v50;
	v31 =	vmul.f32 v48, v54  }
0x1ab: {  	v16 =	vadd.f32 $1.456289550e-02, v38;
	v38 =	vld.idx.msk [tilespmem:v34+s26+$0x0], $0xffff;
	v39 =	vmul.f32 v37, v49;
	v26 =	vmul.f32 v43, v26  }
0x1ac: {  	v35 =	vld.idx.msk [tilespmem:v34+s28+$0x0], $0xffff;
	v23 =	vadd.f32 v25, v23;
	v25 =	vmul.f32 v61, v60;
	v61 =	vmul.f32 v62, v63  }
0x1ad: {  	v44 =	vmax.f32 v44, $0.0e+00;
	v34 =	vld.idx.msk [tilespmem:v13+s25+$0x0], $0xffff;
	v62 =	vmul.f32 v40, v56;
	v63 =	vmul.f32 v55, v45  }
0x1ae: {  	v41 =	vmul.f32 v58, v47;
	v40 =	vmul.f32 v29, v51;
	v26 =	vadd.f32 v31, v26;
	v31 =	vld.idx.msk [tilespmem:v13+s4+$0x0], $0xffff  }
0x1af: {  	s10 =	simm.s32 $0x87C0;
	s9 =	sshll.u32 s18, $0xE;
	s18 =	simm.s32 $0x80;
	v42 =	vmul.f32 v44, v52;
	v37 =	vld.idx.msk [tilespmem:v13+s26+$0x0], $0xffff;
	v25 =	vadd.f32 v61, v25;
	v29 =	vadd.f32 v63, v62  }
.LBB2_8:
0x1b0: {  	v43 =	vld [tilespmem:s10+$0x30];
	v39 =	vadd.f32 v40, v39;
	v28 =	vmul.f32 v28, v36;
	v24 =	vmul.f32 v24, v33  }
0x1b1: {  	v27 =	vmul.f32 v27, v38;
	s16 =	sadd.s32 $0x80, s16;
	v9 =	vmul.f32 v0, v9;
	v0 =	vmovc v21;
	v33 =	vld [tilespmem:s10+$0xFFFFFFC0];
	v36 =	vadd.f32 v42, v41  }
0x1b2: {  	v30 =	vadd.f32 v32, v30;
	v11 =	vmul.f32 v1, v11;
	v1 =	vmovc v18;
	v22 =	vmul.f32 v22, v35;
	v21 =	vld [tilespmem:s16+$0x30]  }
0x1b3: {  	s18 =	sadd.s32 $0x80, s18;
	v12 =	vmul.f32 v2, v12;
	v2 =	vmovc v16;
	v27 =	vadd.f32 v27, v28;
	v19 =	vmul.f32 v19, v31;
	v18 =	vld [tilespmem:s10+$0xFFFFFFD0]  }
0x1b4: {  	v8 =	vmul.f32 v4, v8;
	p1 =	slt.u32 s18, $0xF80;
	v22 =	vadd.f32 v22, v24;
	v17 =	vmul.f32 v17, v34;
	v16 =	vld [tilespmem:s10+$0xFFFFFFE0];
	[tilespmem:s5+$0xFFFFFFC0] =	vst v30  }
0x1b5: {  	v4 =	vmovc v15;
	v9 =	vadd.f32 v9, v5;
	v20 =	vmul.f32 v20, v37;
	v5 =	vmovc v19;
	v24 =	vld [tilespmem:s10+$0xFFFFFFF0];
	v28 =	vmul.f32 $1.500000000e+01, v43  }
0x1b6: {  	v10 =	vmul.f32 v3, v10;
	v3 =	vmovc v14;
	v11 =	vadd.f32 v12, v11;
	v15 =	vmul.f32 $1.500000000e+01, v33;
	v19 =	vld [tilespmem:s10+$0x0]  }
0x1b7: {  	v17 =	vadd.f32 v20, v17;
	v12 =	vld [tilespmem:s10+$0x10];
	v21 =	vmul.f32 $9.999999380e+02, v21;
	v30 =	vtrunc.f32 v28  }
0x1b8: {  	v8 =	vadd.f32 v10, v8;
	v14 =	vmul.f32 $1.500000000e+01, v18;
	v18 =	vld [tilespmem:s10+$0x20];
	v20 =	vcvt.f32.s32 v30  }
0x1b9: {  	v23 =	vadd.f32 v26, v23;
	v10 =	vld [tilespmem:s16+$0xFFFFFFD0];
	v16 =	vmul.f32 $1.500000000e+01, v16;
	v21 =	vtrunc.f32 v21  }
0x1ba: {  	v26 =	vld [tilespmem:s16+$0xFFFFFFE0];
	v24 =	vmul.f32 $1.500000000e+01, v24;
	v21 =	vcvt.f32.s32 v21;
	v30 =	vmul.u32 $0x3E8, v20  }
0x1bb: {  	v31 =	vtrunc.f32 v15;
	v32 =	vld [tilespmem:s16+$0xFFFFFFF0];
	v19 =	vmul.f32 $1.500000000e+01, v19;
	[tilespmem:s5+$0xFFFFFFD0] =	vst v23;
	v23 =	vadd.f32 v29, v25  }
0x1bc: {  	v25 =	vtrunc.f32 v14;
	v29 =	vld [tilespmem:s16+$0x0];
	v33 =	vmul.f32 $1.500000000e+01, v12;
	v12 =	vadd.s32 v21, v30  }
0x1bd: {  	v21 =	vtrunc.f32 v16;
	v30 =	vld [tilespmem:s16+$0x10];
	v18 =	vmul.f32 $1.500000000e+01, v18;
	[tilespmem:s5+$0xFFFFFFE0] =	vst v23;
	v23 =	vadd.f32 v36, v39  }
0x1be: {  	v22 =	vadd.f32 v22, v27;
	v34 =	vtrunc.f32 v24;
	v35 =	vtrunc.f32 v19;
	v36 =	vld [tilespmem:s16+$0x20]  }
0x1bf: {  	v37 =	vtrunc.f32 v33;
	v27 =	vld [tilespmem:s16+$0xFFFFFFC0];
	v38 =	vtrunc.f32 v18;
	[tilespmem:s5+$0xFFFFFFF0] =	vst v23;
	v23 =	vadd.f32 v9, v6;
	v6 =	vmovc v17  }
0x1c0: {  	v8 =	vadd.f32 v8, v11;
	v20 =	vcvt.s32.f32 v20;
	v17 =	vcvt.f32.s32 v31;
	[tilespmem:s5+$0x0] =	vst v22;
	v9 =	vld.idx.msk [tilespmem:v13+s28+$0x0], $0xffff  }
0x1c1: {  	v21 =	vcvt.f32.s32 v21;
	v13 =	vcvt.f32.s32 v25;
	v22 =	vld.idx.msk [tilespmem:v12+s4+$0x0], $0xffff;
	[tilespmem:s19+$0x10] =	vst v23  }
0x1c2: {  	v11 =	vsub.f32 v28, v20;
	v25 =	vcvt.f32.s32 v35;
	v23 =	vcvt.f32.s32 v34;
	v20 =	vld.idx.msk [tilespmem:v12+s25+$0x0], $0xffff;
	[tilespmem:s19+$0x20] =	vst v8;
	s19 =	smov.u32 s5  }
0x1c3: {  	v31 =	vcvt.f32.s32 v37;
	v28 =	vmul.u32 $0x3E8, v17;
	v34 =	vcvt.f32.s32 v38;
	v35 =	vld.idx.msk [tilespmem:v12+s26+$0x0], $0xffff  }
0x1c4: {  	v38 =	vmul.f32 $9.708597060e-01, v11;
	v37 =	vmul.u32 $0x3E8, v13;
	v27 =	vmul.f32 $9.999999380e+02, v27;
	v39 =	vld.idx.msk [tilespmem:v12+s28+$0x0], $0xffff  }
0x1c5: {  	v40 =	vmul.f32 $9.999999380e+02, v10;
	v26 =	vmul.f32 $9.999999380e+02, v26;
	v41 =	vmul.u32 $0x3E8, v21;
	v8 =	vld.idx.msk [tilespmem:v7+s4+$0x0], $0xffff  }
0x1c6: {  	v32 =	vmul.f32 $9.999999380e+02, v32;
	v42 =	vsub.f32 $9.854224920e-01, v38;
	v10 =	vsub.f32 $1.456289550e-02, v38;
	v11 =	vld.idx.msk [tilespmem:v7+s25+$0x0], $0xffff  }
0x1c7: {  	v29 =	vmul.f32 $9.999999380e+02, v29;
	v43 =	vadd.f32 $1.456289550e-02, v38;
	v38 =	vadd.f32 $-9.562968010e-01, v38;
	v12 =	vld.idx.msk [tilespmem:v7+s26+$0x0], $0xffff  }
0x1c8: {  	v30 =	vmul.f32 $9.999999380e+02, v30;
	v36 =	vmul.f32 $9.999999380e+02, v36;
	v44 =	vmax.f32 v10, $0.0e+00;
	v10 =	vld.idx.msk [tilespmem:v7+s28+$0x0], $0xffff  }
0x1c9: {  	v20 =	vmul.f32 v42, v20;
	v7 =	vmax.f32 v38, $0.0e+00;
	v35 =	vmul.f32 v43, v35  }
0x1ca: {  	v22 =	vmul.f32 v44, v22;
	v38 =	vmul.u32 $0x3E8, v23;
	v7 =	vmul.f32 v7, v39  }
0x1cb: {  	v27 =	vtrunc.f32 v27;
	v39 =	vtrunc.f32 v40;
	v40 =	vmul.u32 $0x3E8, v25  }
0x1cc: {  	v26 =	vtrunc.f32 v26;
	v20 =	vadd.f32 v35, v20;
	v7 =	vadd.f32 v7, v22  }
0x1cd: {  	v29 =	vtrunc.f32 v29;
	v22 =	vtrunc.f32 v32;
	v32 =	vmul.u32 $0x3E8, v31  }
0x1ce: {  	v30 =	vtrunc.f32 v30;
	v35 =	vtrunc.f32 v36;
	v7 =	vadd.f32 v7, v20  }
0x1cf: {  	v17 =	vcvt.s32.f32 v17;
	v13 =	vcvt.s32.f32 v13;
	s5 =	sadd.s32 $0x80, s5;
	v20 =	vmul.u32 $0x3E8, v34  }
0x1d0: {  	v21 =	vcvt.s32.f32 v21;
	v23 =	vcvt.s32.f32 v23;
	[tilespmem:s5+$0x30] =	vst v7  }
0x1d1: {  	v15 =	vsub.f32 v15, v17;
	v17 =	vcvt.s32.f32 v31;
	v7 =	vcvt.s32.f32 v25  }
0x1d2: {  	v14 =	vsub.f32 v14, v13;
	v13 =	vcvt.s32.f32 v34;
	v25 =	vcvt.f32.s32 v27  }
0x1d3: {  	v16 =	vsub.f32 v16, v21;
	v26 =	vcvt.f32.s32 v26;
	v27 =	vcvt.f32.s32 v39  }
0x1d4: {  	v21 =	vcvt.f32.s32 v22;
	v22 =	vsub.f32 v24, v23;
	v23 =	vcvt.f32.s32 v29  }
0x1d5: {  	v24 =	vcvt.f32.s32 v35;
	v19 =	vsub.f32 v19, v7;
	v7 =	vcvt.f32.s32 v30  }
0x1d6: {  	v17 =	vsub.f32 v33, v17;
	v18 =	vsub.f32 v18, v13;
	v25 =	vadd.s32 v25, v28  }
0x1d7: {  	v26 =	vadd.s32 v26, v41;
	v29 =	vadd.s32 v21, v38;
	v27 =	vadd.s32 v27, v37  }
0x1d8: {  	v31 =	vadd.s32 v23, v40;
	v13 =	vadd.s32 v7, v32;
	v7 =	vadd.s32 v24, v20  }
0x1d9: {  	v15 =	vmul.f32 $9.708597060e-01, v15;
	v14 =	vmul.f32 $9.708597060e-01, v14  }
0x1da: {  	v16 =	vmul.f32 $9.708597060e-01, v16;
	v20 =	vmul.f32 $9.708597060e-01, v22  }
0x1db: {  	v21 =	vsub.f32 $1.456289550e-02, v15;
	v30 =	vmul.f32 $9.708597060e-01, v17;
	v19 =	vmul.f32 $9.708597060e-01, v19;
	v23 =	vld.idx.msk [tilespmem:v25+s4+$0x0], $0xffff  }
0x1dc: {  	v33 =	vmul.f32 $9.708597060e-01, v18;
	v17 =	vadd.f32 $-9.562968010e-01, v15;
	v22 =	vsub.f32 $1.456289550e-02, v14;
	v32 =	vld.idx.msk [tilespmem:v25+s25+$0x0], $0xffff  }
0x1dd: {  	v18 =	vadd.f32 $-9.562968010e-01, v14;
	v34 =	vmax.f32 v21, $0.0e+00;
	v21 =	vsub.f32 $1.456289550e-02, v16;
	v35 =	vld.idx.msk [tilespmem:v25+s26+$0x0], $0xffff  }
0x1de: {  	v36 =	vmax.f32 v17, $0.0e+00;
	v17 =	vadd.f32 $-9.562968010e-01, v16;
	v24 =	vsub.f32 $1.456289550e-02, v20;
	v25 =	vld.idx.msk [tilespmem:v25+s28+$0x0], $0xffff  }
0x1df: {  	v37 =	vmax.f32 v22, $0.0e+00;
	v22 =	vadd.f32 $-9.562968010e-01, v20;
	v28 =	vsub.f32 $1.456289550e-02, v19;
	v38 =	vld.idx.msk [tilespmem:v27+s4+$0x0], $0xffff  }
0x1e0: {  	v39 =	vmax.f32 v18, $0.0e+00;
	v41 =	vsub.f32 $1.456289550e-02, v30;
	v18 =	vadd.f32 $-9.562968010e-01, v19;
	v40 =	vld.idx.msk [tilespmem:v27+s25+$0x0], $0xffff  }
0x1e1: {  	v44 =	vsub.f32 $1.456289550e-02, v33;
	v43 =	vmax.f32 v21, $0.0e+00;
	v21 =	vadd.f32 $-9.562968010e-01, v30;
	v42 =	vld.idx.msk [tilespmem:v27+s26+$0x0], $0xffff  }
0x1e2: {  	v45 =	vsub.f32 $9.854224920e-01, v15;
	v48 =	vadd.f32 $-9.562968010e-01, v33;
	v47 =	vmax.f32 v17, $0.0e+00;
	v46 =	vld.idx.msk [tilespmem:v27+s28+$0x0], $0xffff  }
0x1e3: {  	v49 =	vadd.f32 $1.456289550e-02, v15;
	v50 =	vsub.f32 $9.854224920e-01, v14;
	v52 =	vmax.f32 v24, $0.0e+00;
	v51 =	vld.idx.msk [tilespmem:v26+s4+$0x0], $0xffff  }
0x1e4: {  	v54 =	vsub.f32 $9.854224920e-01, v16;
	v53 =	vadd.f32 $1.456289550e-02, v14;
	v56 =	vmax.f32 v22, $0.0e+00;
	v55 =	vld.idx.msk [tilespmem:v26+s25+$0x0], $0xffff  }
0x1e5: {  	v57 =	vadd.f32 $1.456289550e-02, v16;
	v59 =	vsub.f32 $9.854224920e-01, v20;
	v24 =	vmax.f32 v28, $0.0e+00;
	v58 =	vld.idx.msk [tilespmem:v26+s26+$0x0], $0xffff  }
0x1e6: {  	v61 =	vadd.f32 $1.456289550e-02, v20;
	v28 =	vsub.f32 $9.854224920e-01, v19;
	v22 =	vmax.f32 v18, $0.0e+00;
	v60 =	vld.idx.msk [tilespmem:v26+s28+$0x0], $0xffff  }
0x1e7: {  	v17 =	vsub.f32 $9.854224920e-01, v30;
	v27 =	vadd.f32 $1.456289550e-02, v19;
	v19 =	vmax.f32 v41, $0.0e+00;
	v62 =	vld.idx.msk [tilespmem:v29+s4+$0x0], $0xffff  }
0x1e8: {  	v20 =	vadd.f32 $1.456289550e-02, v30;
	v21 =	vmax.f32 v21, $0.0e+00;
	v18 =	vsub.f32 $9.854224920e-01, v33;
	v41 =	vld.idx.msk [tilespmem:v29+s25+$0x0], $0xffff  }
0x1e9: {  	v15 =	vmax.f32 v44, $0.0e+00;
	v16 =	vadd.f32 $1.456289550e-02, v33;
	v14 =	vmax.f32 v48, $0.0e+00;
	v63 =	vld.idx.msk [tilespmem:v29+s26+$0x0], $0xffff  }
0x1ea: {  	v30 =	vmul.f32 v49, v35;
	v26 =	vmul.f32 v45, v32;
	v44 =	vld.idx.msk [tilespmem:v29+s28+$0x0], $0xffff  }
0x1eb: {  	v23 =	vmul.f32 v34, v23;
	v25 =	vmul.f32 v36, v25;
	v33 =	vld.idx.msk [tilespmem:v31+s4+$0x0], $0xffff  }
0x1ec: {  	v30 =	vadd.f32 v30, v26;
	v26 =	vmul.f32 v50, v40;
	v29 =	vmul.f32 v53, v42;
	v36 =	vld.idx.msk [tilespmem:v31+s25+$0x0], $0xffff  }
.Ltmp7:
0x1ed: {  	v32 =	vadd.f32 v25, v23;
	v25 =	vmul.f32 v37, v38;
	v34 =	vmul.f32 v39, v46;
	v38 =	vld.idx.msk [tilespmem:v31+s26+$0x0], $0xffff;
	(pc) =	sbr.rel @p1 .LBB2_8-.Ltmp7, $4  }
0x1ee: {  	v37 =	vmul.f32 v57, v58;
	v23 =	vadd.f32 v29, v26;
	v29 =	vmul.f32 v54, v55;
	v35 =	vld.idx.msk [tilespmem:v31+s28+$0x0], $0xffff  }
0x1ef: {  	v42 =	vmul.f32 v43, v51;
	v43 =	vmul.f32 v47, v60;
	v26 =	vadd.f32 v34, v25;
	v31 =	vld.idx.msk [tilespmem:v13+s4+$0x0], $0xffff  }
0x1f0: {  	v39 =	vmul.f32 v59, v41;
	v25 =	vadd.f32 v37, v29;
	v40 =	vmul.f32 v61, v63;
	v34 =	vld.idx.msk [tilespmem:v13+s25+$0x0], $0xffff  }
0x1f1: {  	s10 =	sadd.s32 $0x80, s10;
	v41 =	vmul.f32 v52, v62;
	v29 =	vadd.f32 v43, v42;
	v42 =	vmul.f32 v56, v44;
	v37 =	vld.idx.msk [tilespmem:v13+s26+$0x0], $0xffff  }
0x1f2: {  	_ =	sdelay $0x2  }
0x1f3: {  	v28 =	vmul.f32 v28, v36  }
0x1f4: {  	v39 =	vadd.f32 v40, v39;
	v24 =	vmul.f32 v24, v33;
	v27 =	vmul.f32 v27, v38;
	v13 =	vld.idx.msk [tilespmem:v13+s28+$0x0], $0xffff  }
0x1f5: {  	v0 =	vmul.f32 v0, v9;
	v44 =	vadd.f32 v32, v30;
	v45 =	vld.idx.msk [tilespmem:v7+s4+$0x0], $0xffff;
	v1 =	vmul.f32 v1, v11  }
0x1f6: {  	v2 =	vmul.f32 v2, v12;
	v47 =	vld.idx.msk [tilespmem:v7+s25+$0x0], $0xffff;
	v4 =	vmul.f32 v4, v8;
	v52 =	vadd.f32 v26, v23  }
0x1f7: {  	v48 =	vld.idx.msk [tilespmem:v7+s26+$0x0], $0xffff;
	v3 =	vmul.f32 v3, v10;
	v43 =	vadd.f32 v42, v41;
	v53 =	vadd.f32 v29, v25  }
0x1f8: {  	v49 =	vld.idx.msk [tilespmem:v7+s28+$0x0], $0xffff;
	v22 =	vmul.f32 v22, v35;
	v46 =	vadd.f32 v27, v28;
	v0 =	vadd.f32 v0, v5  }
0x1f9: {  	v1 =	vadd.f32 v2, v1;
	v51 =	vmul.f32 v19, v31;
	v3 =	vadd.f32 v3, v4  }
0x1fa: {  	v22 =	vadd.f32 v22, v24;
	v17 =	vmul.f32 v17, v34;
	v54 =	vadd.f32 v43, v39  }
0x1fb: {  	[tilespmem:s5+$0xFFFFFFC0] =	vst v44;
	v20 =	vmul.f32 v20, v37;
	v0 =	vadd.f32 v0, v6;
	v55 =	vmul.f32 v21, v13  }
0x1fc: {  	[tilespmem:s5+$0xFFFFFFD0] =	vst v52;
	v1 =	vadd.f32 v3, v1;
	v57 =	vmul.f32 v18, v47;
	v58 =	vmul.f32 v16, v48  }
0x1fd: {  	[tilespmem:s5+$0xFFFFFFE0] =	vst v53;
	v56 =	vadd.f32 v22, v46;
	v59 =	vmul.f32 v15, v45;
	v5 =	vmul.f32 v14, v49  }
0x1fe: {  	[tilespmem:s5+$0xFFFFFFF0] =	vst v54;
	v50 =	vadd.f32 v20, v17;
	v60 =	vadd.f32 v55, v51  }
0x1ff: {  	[tilespmem:s19+$0x10] =	vst v0;
	v61 =	vadd.f32 v58, v57;
	v5 =	vadd.f32 v5, v59  }
0x200: {  	[tilespmem:s19+$0x20] =	vst v1;
	v62 =	vadd.f32 v60, v50  }
0x201: {  	[tilespmem:s5+$0x0] =	vst v56;
	v63 =	vadd.f32 v5, v61  }
0x202: {  	[tilespmem:s5+$0x10] =	vst v62  }
0x203: {  	s19 =	sadd.s32 s9, s13;
	[tilespmem:s5+$0x20] =	vst v63;
	s5 =	sadd.s32 $0x3, s15  }
0x204: {  	[hbm4b:s19+s4] =	stream.linear.scatter [tilespmem:s0], [sflag:$0x6], $0x1000, $0x38;
	[tilespmem:$0xA680] =	vst v63  }
0x205: {  	p1 =	sge.u32 s5, s6  }
0x206: {  	s5 =	sshll.u32 @!p1 s5, $0xE  }
.Ltmp8:
0x207: {  	s5 =	sor.u32 @!p1 s7, s5;
	(pc) =	sbr.rel .LBB2_10-.Ltmp8, $4  }
0x208: {  	s10 =	simm.s32 @!p1 $0x0;
	s11 =	simm.s32 @!p1 $0x7680;
	s9 =	sadd.s32 @!p1 s1, s5  }
0x209: {  	[tilespmem:s11], [sflag:$0x4] =	stream.linear.gather @!p1 [hbm4b:s9+s10], $0x1000, $0x38;
	[tilespmem:$0xA680] =	vst v63  }
0x20a: {  	s5 =	sadd.s32 @!p1 s2, s5;
	s9 =	simm.s32 @!p1 $0x8680  }
0x20b: {  	[tilespmem:s9], [sflag:$0x5] =	stream.linear.gather @!p1 [hbm4b:s5+s10], $0x1000, $0x38;
	[tilespmem:$0xA680] =	vst v63  }
.LBB2_11:
0x20c: {  	_ =	swait.ge [sflag:s3], $0x1000  }
.Ltmp9:
0x20d: {  	[sflag:s3] =	ssyncset.done $0x0;
	(pc) =	sbr.rel @p0 .LBB2_17-.Ltmp9, $4  }
0x20e: {  	[sflag:s3] =	ssyncadd.s32 $0xFFFFF000  }
0x20f: {  	_ =	swait.ge [sflag:s20], $0x1000  }
0x210: {  	[sflag:s20] =	ssyncset.done $0x0  }
0x211: {  	[sflag:s20] =	ssyncadd.s32 $0xFFFFF000  }
0x212: {  	s5 =	rddreg [dreg:$0x9];
	s9 =	simm.s32 $0x4680  }
0x213: {  	[tilespmem:s9], [sflag:$0x8] =	stream.linear.gather [hbm4b:s5+s4], $0x240, $0x38;
	[tilespmem:$0xA680] =	vst v63  }
0x214: {  	_ =	swait.ge [sflag:s8], $0x240  }
0x215: {  	[sflag:s8] =	ssyncset.done $0x0  }
0x216: {  	s15 =	simm.s32 $0x5680;
	s14 =	rddreg [dreg:$0xa];
	[sflag:s8] =	ssyncadd.s32 $0xFFFFFDC0  }
0x217: {  	[tilespmem:s15], [sflag:$0x8] =	stream.linear.gather [hbm4b:s14+s4], $0x240, $0x38;
	[tilespmem:$0xA680] =	vst v63  }
0x218: {  	_ =	swait.ge [sflag:s8], $0x240  }
0x219: {  	[sflag:s8] =	ssyncset.done $0x0  }
0x21a: {  	s16 =	simm.s32 $0x56C0;
	[sflag:s8] =	ssyncadd.s32 $0xFFFFFDC0  }
0x21b: {  	v0 =	vld [tilespmem:s16+$0x30]  }
0x21c: {  	s18 =	simm.s32 $0x46C0;
	v1 =	vld [tilespmem:s16+$0xFFFFFFC0]  }
0x21d: {  	v2 =	vld [tilespmem:s18+$0x30]  }
0x21e: {  	v3 =	vld [tilespmem:s16+$0xFFFFFFD0]  }
0x21f: {  	v4 =	vld [tilespmem:s16+$0xFFFFFFE0]  }
0x220: {  	v5 =	vld [tilespmem:s16+$0xFFFFFFF0]  }
0x221: {  	v6 =	vld [tilespmem:s16+$0x0]  }
0x222: {  	v7 =	vld [tilespmem:s16+$0x10]  }
0x223: {  	v9 =	vld [tilespmem:s16+$0x20]  }
0x224: {  	v10 =	vld [tilespmem:s18+$0xFFFFFFD0]  }
0x225: {  	v13 =	vld [tilespmem:s18+$0xFFFFFFE0]  }
0x226: {  	v15 =	vld [tilespmem:s18+$0xFFFFFFF0]  }
0x227: {  	v19 =	vld [tilespmem:s18+$0xFFFFFFC0]  }
0x228: {  	v16 =	vld [tilespmem:s18+$0x0];
	v0 =	vmul.f32 $1.500000000e+01, v0;
	v1 =	vmul.f32 $1.500000000e+01, v1  }
0x229: {  	v22 =	vld [tilespmem:s18+$0x10];
	v2 =	vmul.f32 $9.999999380e+02, v2;
	v3 =	vmul.f32 $1.500000000e+01, v3  }
0x22a: {  	v23 =	vld [tilespmem:s18+$0x20];
	v4 =	vmul.f32 $1.500000000e+01, v4;
	v5 =	vmul.f32 $1.500000000e+01, v5  }
0x22b: {  	v6 =	vmul.f32 $1.500000000e+01, v6;
	v7 =	vmul.f32 $1.500000000e+01, v7  }
0x22c: {  	v9 =	vmul.f32 $1.500000000e+01, v9;
	v19 =	vmul.f32 $9.999999380e+02, v19  }
0x22d: {  	v10 =	vmul.f32 $9.999999380e+02, v10;
	v13 =	vmul.f32 $9.999999380e+02, v13  }
0x22e: {  	v15 =	vmul.f32 $9.999999380e+02, v15;
	v16 =	vmul.f32 $9.999999380e+02, v16  }
0x22f: {  	v22 =	vmul.f32 $9.999999380e+02, v22;
	v23 =	vmul.f32 $9.999999380e+02, v23  }
0x230: {  	v8 =	vtrunc.f32 v0;
	v2 =	vtrunc.f32 v2  }
0x231: {  	v12 =	vtrunc.f32 v1;
	v14 =	vtrunc.f32 v3  }
0x232: {  	v17 =	vtrunc.f32 v5;
	v8 =	vcvt.f32.s32 v8  }
0x233: {  	v18 =	vtrunc.f32 v6;
	v20 =	vtrunc.f32 v7  }
0x234: {  	v21 =	vtrunc.f32 v9;
	v2 =	vcvt.f32.s32 v2;
	v11 =	vmul.u32 $0x3E8, v8  }
0x235: {  	v10 =	vtrunc.f32 v10;
	v13 =	vtrunc.f32 v13  }
0x236: {  	v15 =	vtrunc.f32 v15;
	v16 =	vtrunc.f32 v16;
	v2 =	vadd.s32 v2, v11  }
0x237: {  	v22 =	vtrunc.f32 v22;
	v23 =	vtrunc.f32 v23  }
0x238: {  	v8 =	vcvt.s32.f32 v8;
	v11 =	vtrunc.f32 v4  }
0x239: {  	v12 =	vcvt.f32.s32 v12;
	v11 =	vcvt.f32.s32 v11  }
0x23a: {  	v24 =	vcvt.f32.s32 v14;
	v17 =	vcvt.f32.s32 v17;
	v0 =	vsub.f32 v0, v8  }
0x23b: {  	v18 =	vcvt.f32.s32 v18;
	v28 =	vmul.u32 $0x3E8, v11;
	v11 =	vcvt.s32.f32 v11;
	v14 =	vld.idx.msk [tilespmem:v2+s4+$0x0], $0xffff  }
0x23c: {  	v20 =	vcvt.f32.s32 v20;
	v0 =	vmul.f32 $9.708597060e-01, v0;
	v8 =	vld.idx.msk [tilespmem:v2+s25+$0x0], $0xffff  }
0x23d: {  	v21 =	vcvt.f32.s32 v21;
	v13 =	vcvt.f32.s32 v13;
	v26 =	vld.idx.msk [tilespmem:v2+s26+$0x0], $0xffff;
	v4 =	vsub.f32 v4, v11  }
0x23e: {  	v25 =	vmul.u32 $0x3E8, v12;
	v29 =	vsub.f32 $9.854224920e-01, v0;
	v30 =	vsub.f32 $1.456289550e-02, v0;
	v2 =	vld.idx.msk [tilespmem:v2+s28+$0x0], $0xffff  }
0x23f: {  	v31 =	vadd.f32 $1.456289550e-02, v0;
	v0 =	vadd.f32 $-9.562968010e-01, v0;
	v4 =	vmul.f32 $9.708597060e-01, v4  }
0x240: {  	v27 =	vmul.u32 $0x3E8, v24;
	v11 =	vcvt.f32.s32 v15;
	v13 =	vadd.s32 v13, v28  }
0x241: {  	v30 =	vmax.f32 v30, $0.0e+00;
	v0 =	vmax.f32 v0, $0.0e+00;
	v42 =	vsub.f32 $9.854224920e-01, v4  }
0x242: {  	v44 =	vadd.f32 $1.456289550e-02, v4;
	v8 =	vmul.f32 v29, v8;
	v26 =	vmul.f32 v31, v26  }
0x243: {  	v29 =	vmul.u32 $0x3E8, v17;
	v14 =	vmul.f32 v30, v14;
	v0 =	vmul.f32 v0, v2  }
0x244: {  	v2 =	vtrunc.f32 v19;
	v19 =	vmul.u32 $0x3E8, v18;
	v17 =	vcvt.s32.f32 v17  }
0x245: {  	v2 =	vcvt.f32.s32 v2;
	v8 =	vadd.f32 v26, v8;
	v0 =	vadd.f32 v0, v14  }
0x246: {  	v26 =	vmul.u32 $0x3E8, v20;
	v5 =	vsub.f32 v5, v17;
	v17 =	vcvt.f32.s32 v23  }
0x247: {  	v28 =	vld.idx.msk [tilespmem:v13+s4+$0x0], $0xffff;
	v11 =	vadd.s32 v11, v29;
	v2 =	vadd.s32 v2, v25;
	v25 =	vsub.f32 $1.456289550e-02, v4  }
0x248: {  	v61 =	vadd.f32 v0, v8;
	v0 =	vcvt.s32.f32 v12;
	v8 =	vcvt.s32.f32 v24  }
0x249: {  	s19 =	simm.s32 $0x5740;
	v12 =	vmul.u32 $0x3E8, v21;
	v5 =	vmul.f32 $9.708597060e-01, v5;
	v25 =	vmax.f32 v25, $0.0e+00  }
0x24a: {  	s14 =	simm.s32 $0x4740;
	v51 =	vld [tilespmem:s19+$0xFFFFFFC0];
	v0 =	vsub.f32 v1, v0;
	v1 =	vcvt.s32.f32 v18;
	v18 =	vcvt.s32.f32 v20  }
0x24b: {  	v57 =	vld [tilespmem:s14+$0xFFFFFFF0];
	v3 =	vsub.f32 v3, v8;
	v8 =	vcvt.f32.s32 v10;
	v10 =	vcvt.s32.f32 v21  }
0x24c: {  	v60 =	vld [tilespmem:s14+$0x10];
	v29 =	vadd.f32 $-9.562968010e-01, v5;
	v45 =	vsub.f32 $9.854224920e-01, v5;
	v25 =	vmul.f32 v25, v28  }
0x24d: {  	v62 =	vld [tilespmem:s14+$0x20];
	v15 =	vadd.s32 v8, v27;
	v8 =	vcvt.f32.s32 v16;
	v1 =	vsub.f32 v6, v1  }
0x24e: {  	v31 =	vld.idx.msk [tilespmem:v13+s25+$0x0], $0xffff;
	v6 =	vcvt.f32.s32 v22;
	v18 =	vsub.f32 v7, v18;
	v9 =	vsub.f32 v9, v10  }
0x24f: {  	v34 =	vld.idx.msk [tilespmem:v13+s26+$0x0], $0xffff;
	v0 =	vmul.f32 $9.708597060e-01, v0;
	v3 =	vmul.f32 $9.708597060e-01, v3;
	v7 =	vadd.s32 v17, v12  }
0x250: {  	v13 =	vld.idx.msk [tilespmem:v13+s28+$0x0], $0xffff;
	v27 =	vsub.f32 $1.456289550e-02, v5;
	v29 =	vmax.f32 v29, $0.0e+00;
	v5 =	vadd.f32 $1.456289550e-02, v5  }
0x251: {  	v39 =	vld.idx.msk [tilespmem:v11+s4+$0x0], $0xffff;
	v19 =	vadd.s32 v8, v19;
	v8 =	vadd.s32 v6, v26;
	v12 =	vsub.f32 $1.456289550e-02, v0  }
0x252: {  	v41 =	vld.idx.msk [tilespmem:v11+s25+$0x0], $0xffff;
	v1 =	vmul.f32 $9.708597060e-01, v1;
	v21 =	vadd.f32 $-9.562968010e-01, v0;
	v22 =	vsub.f32 $1.456289550e-02, v3  }
0x253: {  	v43 =	vld.idx.msk [tilespmem:v11+s26+$0x0], $0xffff;
	v17 =	vmul.f32 $9.708597060e-01, v18;
	v24 =	vadd.f32 $-9.562968010e-01, v3;
	v26 =	vadd.f32 $-9.562968010e-01, v4  }
0x254: {  	v11 =	vld.idx.msk [tilespmem:v11+s28+$0x0], $0xffff;
	v9 =	vmul.f32 $9.708597060e-01, v9;
	v37 =	vsub.f32 $9.854224920e-01, v0;
	v0 =	vadd.f32 $1.456289550e-02, v0  }
0x255: {  	v16 =	vld.idx.msk [tilespmem:v2+s4+$0x0], $0xffff;
	v40 =	vsub.f32 $9.854224920e-01, v3;
	v27 =	vmax.f32 v27, $0.0e+00;
	v3 =	vadd.f32 $1.456289550e-02, v3  }
0x256: {  	v10 =	vld.idx.msk [tilespmem:v2+s25+$0x0], $0xffff;
	v12 =	vmax.f32 v12, $0.0e+00;
	v21 =	vmax.f32 v21, $0.0e+00;
	v30 =	vsub.f32 $1.456289550e-02, v1  }
0x257: {  	v20 =	vld.idx.msk [tilespmem:v2+s26+$0x0], $0xffff;
	v22 =	vmax.f32 v22, $0.0e+00;
	v32 =	vadd.f32 $-9.562968010e-01, v1;
	v33 =	vsub.f32 $1.456289550e-02, v17  }
0x258: {  	v2 =	vld.idx.msk [tilespmem:v2+s28+$0x0], $0xffff;
	v24 =	vmax.f32 v24, $0.0e+00;
	v35 =	vadd.f32 $-9.562968010e-01, v17;
	v36 =	vsub.f32 $1.456289550e-02, v9  }
0x259: {  	v26 =	vmax.f32 v26, $0.0e+00;
	v38 =	vadd.f32 $-9.562968010e-01, v9;
	v46 =	vsub.f32 $9.854224920e-01, v1;
	v6 =	vld.idx.msk [tilespmem:v15+s4+$0x0], $0xffff  }
0x25a: {  	v48 =	vadd.f32 $1.456289550e-02, v1;
	v49 =	vsub.f32 $9.854224920e-01, v17;
	v28 =	vmul.f32 v5, v43;
	v18 =	vld.idx.msk [tilespmem:v15+s25+$0x0], $0xffff  }
0x25b: {  	v17 =	vadd.f32 $1.456289550e-02, v17;
	v11 =	vmul.f32 v29, v11;
	v23 =	vld.idx.msk [tilespmem:v15+s26+$0x0], $0xffff;
	v10 =	vmul.f32 v37, v10  }
0x25c: {  	v1 =	vsub.f32 $9.854224920e-01, v9;
	v15 =	vld.idx.msk [tilespmem:v15+s28+$0x0], $0xffff;
	v20 =	vmul.f32 v0, v20;
	v12 =	vmul.f32 v12, v16  }
0x25d: {  	v16 =	vmul.f32 v21, v2;
	v2 =	vadd.f32 $1.456289550e-02, v9;
	v13 =	vmul.f32 v26, v13;
	v26 =	vld [tilespmem:s19+$0x30]  }
0x25e: {  	v37 =	vmul.f32 $9.999999380e+02, v57;
	v30 =	vmax.f32 v30, $0.0e+00;
	v32 =	vmax.f32 v32, $0.0e+00;
	v47 =	vld.idx.msk [tilespmem:v19+s4+$0x0], $0xffff  }
0x25f: {  	v33 =	vmax.f32 v33, $0.0e+00;
	v50 =	vld.idx.msk [tilespmem:v19+s25+$0x0], $0xffff;
	v10 =	vadd.f32 v20, v10;
	v20 =	vmul.f32 v45, v41  }
0x260: {  	v63 =	vld.idx.msk [tilespmem:v19+s26+$0x0], $0xffff;
	v12 =	vadd.f32 v16, v12;
	v16 =	vmul.f32 v27, v39;
	v39 =	vmul.f32 $9.999999380e+02, v60  }
0x261: {  	v0 =	vmax.f32 v35, $0.0e+00;
	v19 =	vld.idx.msk [tilespmem:v19+s28+$0x0], $0xffff;
	v37 =	vtrunc.f32 v37;
	v18 =	vmul.f32 v40, v18  }
0x262: {  	v4 =	vmax.f32 v36, $0.0e+00;
	v27 =	vld [tilespmem:s14+$0x30];
	v21 =	vmul.f32 v3, v23;
	v6 =	vmul.f32 v22, v6  }
0x263: {  	v13 =	vadd.f32 v13, v25;
	v23 =	vld.idx.msk [tilespmem:v8+s4+$0x0], $0xffff;
	v9 =	vmul.f32 v24, v15;
	v22 =	vmul.f32 v42, v31  }
0x264: {  	v20 =	vadd.f32 v28, v20;
	v24 =	vmul.f32 v44, v34;
	v31 =	vld.idx.msk [tilespmem:v8+s26+$0x0], $0xffff;
	v25 =	vmul.f32 $1.500000000e+01, v26  }
0x265: {  	v11 =	vadd.f32 v11, v16;
	v15 =	vld.idx.msk [tilespmem:v8+s25+$0x0], $0xffff;
	v26 =	vmul.f32 $1.500000000e+01, v51;
	v34 =	vmul.f32 $9.999999380e+02, v62  }
0x266: {  	v53 =	vld [tilespmem:s14+$0xFFFFFFD0];
	v18 =	vadd.f32 v21, v18;
	v21 =	vmul.f32 v46, v50;
	v29 =	vmul.f32 v30, v47  }
0x267: {  	v52 =	vld [tilespmem:s19+$0xFFFFFFE0];
	v9 =	vadd.f32 v9, v6;
	v6 =	vmul.f32 v48, v63;
	v19 =	vmul.f32 v32, v19  }
0x268: {  	v16 =	vld [tilespmem:s19+$0x10];
	v3 =	vmax.f32 v38, $0.0e+00;
	v27 =	vmul.f32 $9.999999380e+02, v27;
	v5 =	vmul.f32 v33, v23  }
0x269: {  	v28 =	vld [tilespmem:s19+$0x0];
	v22 =	vadd.f32 v24, v22;
	v17 =	vmul.f32 v17, v31;
	v31 =	vtrunc.f32 v25  }
0x26a: {  	v30 =	vld [tilespmem:s19+$0xFFFFFFD0];
	v23 =	vmul.f32 v49, v15;
	v15 =	vadd.f32 v12, v10;
	v12 =	vcvt.f32.s32 v31  }
0x26b: {  	v24 =	vld [tilespmem:s19+$0xFFFFFFF0];
	v32 =	vmul.f32 $9.999999380e+02, v53;
	v21 =	vadd.f32 v6, v21;
	v6 =	vtrunc.f32 v27  }
0x26c: {  	v34 =	vtrunc.f32 v34;
	v27 =	vcvt.f32.s32 v6;
	v54 =	vmul.u32 $0x3E8, v12  }
0x26d: {  	v19 =	vadd.f32 v19, v29;
	v29 =	vtrunc.f32 v26;
	v35 =	vmul.f32 $1.500000000e+01, v16  }
0x26e: {  	v28 =	vmul.f32 $1.500000000e+01, v28;
	v29 =	vcvt.f32.s32 v29;
	v27 =	vadd.s32 v27, v54  }
0x26f: {  	v20 =	vadd.f32 v11, v20;
	v10 =	vld [tilespmem:s19+$0x20];
	v31 =	vmul.f32 $1.500000000e+01, v52;
	v59 =	vtrunc.f32 v35  }
0x270: {  	v30 =	vmul.f32 $1.500000000e+01, v30;
	v24 =	vmul.f32 $1.500000000e+01, v24;
	v6 =	vadd.f32 v17, v23  }
0x271: {  	v17 =	vadd.f32 v9, v18;
	v9 =	vtrunc.f32 v28;
	v18 =	vld [tilespmem:s14+$0xFFFFFFC0];
	v11 =	vcvt.s32.f32 v12  }
0x272: {  	v49 =	vmul.u32 $0x3E8, v29;
	v29 =	vcvt.s32.f32 v29;
	v56 =	vtrunc.f32 v31  }
0x273: {  	v9 =	vcvt.f32.s32 v9;
	v55 =	vtrunc.f32 v30;
	v11 =	vsub.f32 v25, v11;
	v63 =	vld.idx.msk [tilespmem:v27+s4+$0x0], $0xffff  }
0x274: {  	v19 =	vadd.f32 v19, v21;
	v21 =	vcvt.f32.s32 v56;
	v10 =	vmul.f32 $1.500000000e+01, v10;
	v48 =	vld.idx.msk [tilespmem:v27+s25+$0x0], $0xffff  }
0x275: {  	v16 =	vadd.f32 v13, v22;
	v12 =	vcvt.f32.s32 v55;
	v11 =	vmul.f32 $9.708597060e-01, v11;
	v50 =	vld.idx.msk [tilespmem:v27+s26+$0x0], $0xffff  }
0x276: {  	v26 =	vsub.f32 v26, v29;
	v22 =	vtrunc.f32 v10;
	v18 =	vmul.f32 $9.999999380e+02, v18;
	v27 =	vld.idx.msk [tilespmem:v27+s28+$0x0], $0xffff  }
0x277: {  	v51 =	vmul.u32 $0x3E8, v12;
	v53 =	vsub.f32 $9.854224920e-01, v11;
	v54 =	vsub.f32 $1.456289550e-02, v11  }
0x278: {  	v12 =	vcvt.s32.f32 v12;
	v55 =	vadd.f32 $1.456289550e-02, v11;
	v11 =	vadd.f32 $-9.562968010e-01, v11  }
0x279: {  	v22 =	vcvt.f32.s32 v22;
	v18 =	vtrunc.f32 v18;
	v45 =	vmax.f32 v54, $0.0e+00  }
0x27a: {  	v11 =	vmax.f32 v11, $0.0e+00;
	v38 =	vmul.f32 v53, v48;
	v41 =	vmul.f32 v55, v50  }
0x27b: {  	v13 =	vld [tilespmem:s14+$0x0];
	v57 =	vmul.u32 $0x3E8, v9;
	v36 =	vmul.f32 v45, v63;
	v11 =	vmul.f32 v11, v27  }
0x27c: {  	v62 =	vcvt.s32.f32 v9;
	v29 =	vsub.f32 v30, v12;
	v18 =	vcvt.f32.s32 v18  }
0x27d: {  	v23 =	vld [tilespmem:s14+$0xFFFFFFE0];
	v60 =	vmul.u32 $0x3E8, v22;
	v38 =	vadd.f32 v41, v38;
	v11 =	vadd.f32 v11, v36  }
0x27e: {  	v9 =	vld.idx.msk [tilespmem:v8+s28+$0x0], $0xffff;
	v22 =	vcvt.s32.f32 v22;
	v18 =	vadd.s32 v18, v49;
	v27 =	vtrunc.f32 v32  }
0x27f: {  	v8 =	vld.idx.msk [tilespmem:v7+s4+$0x0], $0xffff;
	v12 =	vcvt.f32.s32 v27;
	v14 =	vadd.f32 v11, v38;
	v11 =	vcvt.s32.f32 v21  }
0x280: {  	v58 =	vtrunc.f32 v24;
	v13 =	vmul.f32 $9.999999380e+02, v13;
	v22 =	vsub.f32 v10, v22;
	v10 =	vld.idx.msk [tilespmem:v7+s28+$0x0], $0xffff  }
0x281: {  	v63 =	vadd.s32 v12, v51;
	v12 =	vld.idx.msk [tilespmem:v7+s26+$0x0], $0xffff;
	v27 =	vsub.f32 v31, v11;
	v31 =	vcvt.f32.s32 v34  }
0x282: {  	v33 =	vcvt.f32.s32 v58;
	v25 =	vcvt.f32.s32 v59;
	v11 =	vld.idx.msk [tilespmem:v7+s25+$0x0], $0xffff  }
0x283: {  	v58 =	vtrunc.f32 v39;
	v13 =	vtrunc.f32 v13;
	v7 =	vadd.s32 v31, v60;
	v31 =	vld.idx.msk [tilespmem:v18+s4+$0x0], $0xffff  }
0x284: {  	v23 =	vmul.f32 $9.999999380e+02, v23;
	v59 =	vmul.u32 $0x3E8, v25;
	v25 =	vcvt.s32.f32 v25  }
0x285: {  	v52 =	vmul.u32 $0x3E8, v21;
	v26 =	vmul.f32 $9.708597060e-01, v26;
	v13 =	vcvt.f32.s32 v13  }
0x286: {  	v23 =	vtrunc.f32 v23;
	v30 =	vcvt.f32.s32 v37;
	v25 =	vsub.f32 v35, v25  }
0x287: {  	v56 =	vmul.u32 $0x3E8, v33;
	v23 =	vcvt.f32.s32 v23;
	v21 =	vcvt.s32.f32 v33  }
0x288: {  	v35 =	vadd.s32 v13, v57;
	v25 =	vmul.f32 $9.708597060e-01, v25;
	v37 =	vmul.f32 $9.708597060e-01, v22;
	[tilespmem:$0x1FFC0] =	vst v31  }
0x289: {  	v23 =	vadd.s32 v23, v52;
	v21 =	vsub.f32 v24, v21;
	v24 =	vsub.f32 v28, v62;
	v33 =	vld.idx.msk [tilespmem:v18+s25+$0x0], $0xffff  }
0x28a: {  	v49 =	vsub.f32 $1.456289550e-02, v25;
	v52 =	vsub.f32 $1.456289550e-02, v37;
	v27 =	vmul.f32 $9.708597060e-01, v27;
	v39 =	vld.idx.msk [tilespmem:v18+s26+$0x0], $0xffff  }
0x28b: {  	v21 =	vmul.f32 $9.708597060e-01, v21;
	v32 =	vmul.f32 $9.708597060e-01, v24;
	v24 =	vadd.f32 $-9.562968010e-01, v26;
	v41 =	vld.idx.msk [tilespmem:v18+s28+$0x0], $0xffff  }
0x28c: {  	v55 =	vadd.f32 $-9.562968010e-01, v37;
	v28 =	vcvt.f32.s32 v58;
	v54 =	vsub.f32 $1.456289550e-02, v27;
	v58 =	vld.idx.msk [tilespmem:v63+s4+$0x0], $0xffff  }
0x28d: {  	v42 =	vmax.f32 v24, $0.0e+00;
	v24 =	vsub.f32 $1.456289550e-02, v21;
	v18 =	vadd.f32 $-9.562968010e-01, v27;
	v46 =	vld.idx.msk [tilespmem:v63+s25+$0x0], $0xffff  }
0x28e: {  	v51 =	vadd.f32 $-9.562968010e-01, v25;
	v13 =	vadd.s32 v28, v59;
	v28 =	vmul.f32 $9.708597060e-01, v29;
	v50 =	vld.idx.msk [tilespmem:v63+s26+$0x0], $0xffff  }
0x28f: {  	v40 =	vmax.f32 v54, $0.0e+00;
	v31 =	vld.idx.msk [tilespmem:v63+s28+$0x0], $0xffff;
	v54 =	vmax.f32 v18, $0.0e+00;
	v18 =	vmax.f32 v24, $0.0e+00  }
0x290: {  	s15 =	simm.s32 $0x66C0;
	v30 =	vadd.s32 v30, v56;
	v29 =	vsub.f32 $1.456289550e-02, v26;
	v53 =	vsub.f32 $1.456289550e-02, v28;
	v56 =	vld.idx.msk [tilespmem:v23+s4+$0x0], $0xffff;
	[tilespmem:$0x1FFD0] =	vst v18  }
0x291: {  	v22 =	vadd.f32 $-9.562968010e-01, v28;
	v44 =	vadd.f32 $-9.562968010e-01, v21;
	[tilespmem:s15+$0x30] =	vst v61  }
0x292: {  	v36 =	vsub.f32 $1.456289550e-02, v32;
	v47 =	vadd.f32 $-9.562968010e-01, v32;
	[tilespmem:s15+$0xFFFFFFC0] =	vst v15  }
0x293: {  	v57 =	vsub.f32 $9.854224920e-01, v28;
	v59 =	vadd.f32 $1.456289550e-02, v28;
	v60 =	vld.idx.msk [tilespmem:v23+s25+$0x0], $0xffff;
	[tilespmem:s15+$0xFFFFFFD0] =	vst v17  }
0x294: {  	v43 =	vmax.f32 v29, $0.0e+00;
	v62 =	vadd.f32 $1.456289550e-02, v27;
	v38 =	vsub.f32 $9.854224920e-01, v21;
	v63 =	vld.idx.msk [tilespmem:v23+s26+$0x0], $0xffff;
	[tilespmem:s15+$0xFFFFFFE0] =	vst v16  }
0x295: {  	v34 =	vadd.f32 $1.456289550e-02, v21;
	v45 =	vmax.f32 v53, $0.0e+00;
	v48 =	vmax.f32 v22, $0.0e+00;
	v29 =	vld.idx.msk [tilespmem:v23+s28+$0x0], $0xffff;
	[tilespmem:s15+$0xFFFFFFF0] =	vst v20  }
0x296: {  	s9 =	simm.s32 $0x6740;
	v53 =	vsub.f32 $9.854224920e-01, v26;
	v26 =	vadd.f32 $1.456289550e-02, v26;
	v22 =	vmax.f32 v47, $0.0e+00;
	v47 =	vld.idx.msk [tilespmem:v30+s4+$0x0], $0xffff;
	[tilespmem:s15+$0x0] =	vst v19  }
0x297: {  	v21 =	vmax.f32 v51, $0.0e+00;
	v18 =	vadd.f32 $1.456289550e-02, v25;
	v17 =	vmax.f32 v49, $0.0e+00;
	v49 =	vld.idx.msk [tilespmem:v30+s25+$0x0], $0xffff;
	[tilespmem:s9+$0x30] =	vst v14  }
0x298: {  	v16 =	vsub.f32 $9.854224920e-01, v25;
	v23 =	vmul.f32 v53, v33;
	v25 =	vmul.f32 v26, v39;
	v26 =	vld [tilespmem:$0x1FFC0]  }
0x299: {  	v24 =	vmax.f32 v36, $0.0e+00;
	v61 =	vsub.f32 $9.854224920e-01, v27;
	v51 =	vld.idx.msk [tilespmem:v30+s26+$0x0], $0xffff;
	v15 =	vmax.f32 v52, $0.0e+00  }
0x29a: {  	v52 =	vld.idx.msk [tilespmem:v30+s28+$0x0], $0xffff;
	v30 =	vadd.f32 v25, v23;
	v23 =	vmul.f32 v57, v46;
	v25 =	vmul.f32 v59, v50  }
0x29b: {  	v20 =	vsub.f32 $9.854224920e-01, v37;
	v19 =	vadd.f32 $1.456289550e-02, v37;
	v14 =	vmax.f32 v55, $0.0e+00;
	v36 =	vld.idx.msk [tilespmem:v35+s25+$0x0], $0xffff  }
0x29c: {  	v37 =	vld.idx.msk [tilespmem:v35+s26+$0x0], $0xffff;
	v55 =	vmul.f32 v42, v41;
	v23 =	vadd.f32 v25, v23;
	v25 =	vmul.f32 v61, v60  }
0x29d: {  	v61 =	vmul.f32 v62, v63;
	v63 =	vld [tilespmem:$0x1FFD0];
	v26 =	vmul.f32 v43, v26  }
0x29e: {  	v28 =	vsub.f32 $9.854224920e-01, v32;
	v27 =	vadd.f32 $1.456289550e-02, v32;
	v33 =	vld.idx.msk [tilespmem:v35+s4+$0x0], $0xffff;
	v31 =	vmul.f32 v48, v31  }
0x29f: {  	v35 =	vld.idx.msk [tilespmem:v35+s28+$0x0], $0xffff;
	v62 =	vmul.f32 v40, v56;
	v32 =	vadd.f32 v55, v26;
	v26 =	vmul.f32 v45, v58  }
0x2a0: {  	v44 =	vmax.f32 v44, $0.0e+00;
	v29 =	vmul.f32 v54, v29;
	v40 =	vmul.f32 v34, v51;
	v34 =	vld.idx.msk [tilespmem:v13+s25+$0x0], $0xffff  }
0x2a1: {  	s10 =	simm.s32 $0x80;
	s11 =	simm.s32 $0x57C0;
	s5 =	simm.s32 $0x5880;
	v39 =	vmul.f32 v38, v49;
	v42 =	vmul.f32 v44, v52;
	v26 =	vadd.f32 v31, v26;
	v31 =	vld.idx.msk [tilespmem:v13+s4+$0x0], $0xffff  }
0x2a2: {  	s16 =	simm.s32 $0x4880;
	s18 =	simm.s32 $0x1F0;
	s19 =	simm.s32 $0x6880;
	v38 =	vld.idx.msk [tilespmem:v13+s26+$0x0], $0xffff;
	v25 =	vadd.f32 v61, v25;
	v29 =	vadd.f32 v29, v62;
	v41 =	vmul.f32 v63, v47  }
.LBB2_13:
0x2a3: {  	v43 =	vld [tilespmem:s11+$0x30];
	v39 =	vadd.f32 v40, v39;
	v28 =	vmul.f32 v28, v36;
	v24 =	vmul.f32 v24, v33  }
0x2a4: {  	v27 =	vmul.f32 v27, v37;
	s14 =	sadd.s32 $0x80, s14;
	v9 =	vmul.f32 v0, v9;
	v0 =	vmovc v21;
	v33 =	vld [tilespmem:s11+$0xFFFFFFC0];
	v36 =	vadd.f32 v42, v41  }
0x2a5: {  	v30 =	vadd.f32 v32, v30;
	v11 =	vmul.f32 v1, v11;
	v1 =	vmovc v20;
	v22 =	vmul.f32 v22, v35;
	v21 =	vld [tilespmem:s14+$0x30]  }
0x2a6: {  	s10 =	sadd.s32 $0x80, s10;
	v12 =	vmul.f32 v2, v12;
	v2 =	vmovc v19;
	v27 =	vadd.f32 v27, v28;
	v17 =	vmul.f32 v17, v31;
	v20 =	vld [tilespmem:s11+$0xFFFFFFD0]  }
0x2a7: {  	v8 =	vmul.f32 v4, v8;
	p1 =	slt.u32 s10, $0x180;
	v22 =	vadd.f32 v22, v24;
	v16 =	vmul.f32 v16, v34;
	v19 =	vld [tilespmem:s11+$0xFFFFFFE0];
	[tilespmem:s9+$0xFFFFFFC0] =	vst v30  }
0x2a8: {  	v4 =	vmovc v15;
	v9 =	vadd.f32 v9, v5;
	v18 =	vmul.f32 v18, v38;
	v5 =	vmovc v17;
	v24 =	vld [tilespmem:s11+$0xFFFFFFF0];
	v28 =	vmul.f32 $1.500000000e+01, v43  }
0x2a9: {  	v10 =	vmul.f32 v3, v10;
	v3 =	vmovc v14;
	v11 =	vadd.f32 v12, v11;
	v15 =	vmul.f32 $1.500000000e+01, v33;
	v17 =	vld [tilespmem:s11+$0x0]  }
0x2aa: {  	v18 =	vadd.f32 v18, v16;
	v12 =	vld [tilespmem:s11+$0x10];
	v21 =	vmul.f32 $9.999999380e+02, v21;
	v30 =	vtrunc.f32 v28  }
0x2ab: {  	v8 =	vadd.f32 v10, v8;
	v14 =	vmul.f32 $1.500000000e+01, v20;
	v20 =	vld [tilespmem:s11+$0x20];
	v30 =	vcvt.f32.s32 v30  }
0x2ac: {  	v10 =	vld [tilespmem:s14+$0xFFFFFFD0];
	v16 =	vmul.f32 $1.500000000e+01, v19;
	v19 =	vtrunc.f32 v21;
	v21 =	vadd.f32 v26, v23  }
0x2ad: {  	v23 =	vld [tilespmem:s14+$0xFFFFFFE0];
	v24 =	vmul.f32 $1.500000000e+01, v24;
	v19 =	vcvt.f32.s32 v19;
	v26 =	vmul.u32 $0x3E8, v30  }
0x2ae: {  	v31 =	vtrunc.f32 v15;
	v32 =	vld [tilespmem:s14+$0xFFFFFFF0];
	v17 =	vmul.f32 $1.500000000e+01, v17;
	[tilespmem:s9+$0xFFFFFFD0] =	vst v21;
	v21 =	vadd.f32 v29, v25  }
0x2af: {  	v25 =	vtrunc.f32 v14;
	v29 =	vld [tilespmem:s14+$0x0];
	v33 =	vmul.f32 $1.500000000e+01, v12;
	v12 =	vadd.s32 v19, v26  }
0x2b0: {  	v19 =	vtrunc.f32 v16;
	v26 =	vld [tilespmem:s14+$0x10];
	v20 =	vmul.f32 $1.500000000e+01, v20;
	[tilespmem:s9+$0xFFFFFFE0] =	vst v21;
	v21 =	vadd.f32 v36, v39  }
0x2b1: {  	v22 =	vadd.f32 v22, v27;
	v34 =	vtrunc.f32 v24;
	v35 =	vtrunc.f32 v17;
	v36 =	vld [tilespmem:s14+$0x20]  }
0x2b2: {  	v37 =	vtrunc.f32 v33;
	v27 =	vld [tilespmem:s14+$0xFFFFFFC0];
	v38 =	vtrunc.f32 v20;
	[tilespmem:s9+$0xFFFFFFF0] =	vst v21;
	v21 =	vadd.f32 v9, v6;
	v6 =	vmovc v18  }
0x2b3: {  	v8 =	vadd.f32 v8, v11;
	v30 =	vcvt.s32.f32 v30;
	v18 =	vcvt.f32.s32 v31;
	[tilespmem:s9+$0x0] =	vst v22;
	v9 =	vld.idx.msk [tilespmem:v13+s28+$0x0], $0xffff  }
0x2b4: {  	v19 =	vcvt.f32.s32 v19;
	v13 =	vcvt.f32.s32 v25;
	v22 =	vld.idx.msk [tilespmem:v12+s4+$0x0], $0xffff;
	[tilespmem:s15+$0x10] =	vst v21  }
0x2b5: {  	v11 =	vsub.f32 v28, v30;
	v25 =	vcvt.f32.s32 v35;
	v21 =	vcvt.f32.s32 v34;
	v28 =	vld.idx.msk [tilespmem:v12+s25+$0x0], $0xffff;
	[tilespmem:s15+$0x20] =	vst v8;
	s15 =	smov.u32 s9  }
0x2b6: {  	v31 =	vcvt.f32.s32 v37;
	v30 =	vmul.u32 $0x3E8, v18;
	v34 =	vcvt.f32.s32 v38;
	v35 =	vld.idx.msk [tilespmem:v12+s26+$0x0], $0xffff  }
0x2b7: {  	v38 =	vmul.f32 $9.708597060e-01, v11;
	v37 =	vmul.u32 $0x3E8, v13;
	v27 =	vmul.f32 $9.999999380e+02, v27;
	v39 =	vld.idx.msk [tilespmem:v12+s28+$0x0], $0xffff  }
0x2b8: {  	v40 =	vmul.f32 $9.999999380e+02, v10;
	v23 =	vmul.f32 $9.999999380e+02, v23;
	v41 =	vmul.u32 $0x3E8, v19;
	v8 =	vld.idx.msk [tilespmem:v7+s4+$0x0], $0xffff  }
0x2b9: {  	v32 =	vmul.f32 $9.999999380e+02, v32;
	v42 =	vsub.f32 $9.854224920e-01, v38;
	v10 =	vsub.f32 $1.456289550e-02, v38;
	v11 =	vld.idx.msk [tilespmem:v7+s25+$0x0], $0xffff  }
0x2ba: {  	v29 =	vmul.f32 $9.999999380e+02, v29;
	v43 =	vadd.f32 $1.456289550e-02, v38;
	v38 =	vadd.f32 $-9.562968010e-01, v38;
	v12 =	vld.idx.msk [tilespmem:v7+s26+$0x0], $0xffff  }
0x2bb: {  	v26 =	vmul.f32 $9.999999380e+02, v26;
	v36 =	vmul.f32 $9.999999380e+02, v36;
	v44 =	vmax.f32 v10, $0.0e+00;
	v10 =	vld.idx.msk [tilespmem:v7+s28+$0x0], $0xffff  }
0x2bc: {  	v28 =	vmul.f32 v42, v28;
	v7 =	vmax.f32 v38, $0.0e+00;
	v35 =	vmul.f32 v43, v35  }
0x2bd: {  	v22 =	vmul.f32 v44, v22;
	v38 =	vmul.u32 $0x3E8, v21;
	v7 =	vmul.f32 v7, v39  }
0x2be: {  	v27 =	vtrunc.f32 v27;
	v39 =	vtrunc.f32 v40;
	v40 =	vmul.u32 $0x3E8, v25  }
0x2bf: {  	v23 =	vtrunc.f32 v23;
	v28 =	vadd.f32 v35, v28;
	v7 =	vadd.f32 v7, v22  }
0x2c0: {  	v29 =	vtrunc.f32 v29;
	v22 =	vtrunc.f32 v32;
	v32 =	vmul.u32 $0x3E8, v31  }
0x2c1: {  	v26 =	vtrunc.f32 v26;
	v35 =	vtrunc.f32 v36;
	v7 =	vadd.f32 v7, v28  }
0x2c2: {  	v18 =	vcvt.s32.f32 v18;
	v13 =	vcvt.s32.f32 v13;
	s9 =	sadd.s32 $0x80, s9;
	v28 =	vmul.u32 $0x3E8, v34  }
0x2c3: {  	v19 =	vcvt.s32.f32 v19;
	v21 =	vcvt.s32.f32 v21;
	[tilespmem:s9+$0x30] =	vst v7  }
0x2c4: {  	v15 =	vsub.f32 v15, v18;
	v18 =	vcvt.s32.f32 v31;
	v7 =	vcvt.s32.f32 v25  }
0x2c5: {  	v14 =	vsub.f32 v14, v13;
	v13 =	vcvt.s32.f32 v34;
	v25 =	vcvt.f32.s32 v27  }
0x2c6: {  	v16 =	vsub.f32 v16, v19;
	v23 =	vcvt.f32.s32 v23;
	v27 =	vcvt.f32.s32 v39  }
0x2c7: {  	v21 =	vsub.f32 v24, v21;
	v19 =	vcvt.f32.s32 v22;
	v22 =	vcvt.f32.s32 v29  }
0x2c8: {  	v24 =	vcvt.f32.s32 v35;
	v17 =	vsub.f32 v17, v7;
	v7 =	vcvt.f32.s32 v26  }
0x2c9: {  	v18 =	vsub.f32 v33, v18;
	v20 =	vsub.f32 v20, v13;
	v25 =	vadd.s32 v25, v30  }
0x2ca: {  	v23 =	vadd.s32 v23, v41;
	v29 =	vadd.s32 v19, v38;
	v26 =	vadd.s32 v27, v37  }
0x2cb: {  	v31 =	vadd.s32 v22, v40;
	v13 =	vadd.s32 v7, v32;
	v7 =	vadd.s32 v24, v28  }
0x2cc: {  	v15 =	vmul.f32 $9.708597060e-01, v15;
	v14 =	vmul.f32 $9.708597060e-01, v14  }
0x2cd: {  	v16 =	vmul.f32 $9.708597060e-01, v16;
	v19 =	vmul.f32 $9.708597060e-01, v21  }
0x2ce: {  	v18 =	vmul.f32 $9.708597060e-01, v18;
	v21 =	vsub.f32 $1.456289550e-02, v15;
	v17 =	vmul.f32 $9.708597060e-01, v17;
	v30 =	vld.idx.msk [tilespmem:v25+s4+$0x0], $0xffff  }
0x2cf: {  	v33 =	vmul.f32 $9.708597060e-01, v20;
	v22 =	vadd.f32 $-9.562968010e-01, v15;
	v24 =	vsub.f32 $1.456289550e-02, v14;
	v32 =	vld.idx.msk [tilespmem:v25+s25+$0x0], $0xffff  }
0x2d0: {  	v20 =	vadd.f32 $-9.562968010e-01, v14;
	v34 =	vmax.f32 v21, $0.0e+00;
	v21 =	vsub.f32 $1.456289550e-02, v16;
	v35 =	vld.idx.msk [tilespmem:v25+s26+$0x0], $0xffff  }
0x2d1: {  	v36 =	vmax.f32 v22, $0.0e+00;
	v22 =	vadd.f32 $-9.562968010e-01, v16;
	v27 =	vsub.f32 $1.456289550e-02, v19;
	v25 =	vld.idx.msk [tilespmem:v25+s28+$0x0], $0xffff  }
0x2d2: {  	v37 =	vmax.f32 v24, $0.0e+00;
	v24 =	vadd.f32 $-9.562968010e-01, v19;
	v28 =	vsub.f32 $1.456289550e-02, v17;
	v38 =	vld.idx.msk [tilespmem:v26+s4+$0x0], $0xffff  }
0x2d3: {  	v41 =	vsub.f32 $1.456289550e-02, v18;
	v39 =	vmax.f32 v20, $0.0e+00;
	v20 =	vadd.f32 $-9.562968010e-01, v17;
	v40 =	vld.idx.msk [tilespmem:v26+s25+$0x0], $0xffff  }
0x2d4: {  	v44 =	vsub.f32 $1.456289550e-02, v33;
	v43 =	vmax.f32 v21, $0.0e+00;
	v21 =	vadd.f32 $-9.562968010e-01, v18;
	v42 =	vld.idx.msk [tilespmem:v26+s26+$0x0], $0xffff  }
0x2d5: {  	v45 =	vsub.f32 $9.854224920e-01, v15;
	v47 =	vadd.f32 $-9.562968010e-01, v33;
	v46 =	vmax.f32 v22, $0.0e+00;
	v26 =	vld.idx.msk [tilespmem:v26+s28+$0x0], $0xffff  }
0x2d6: {  	v48 =	vadd.f32 $1.456289550e-02, v15;
	v49 =	vsub.f32 $9.854224920e-01, v14;
	v51 =	vmax.f32 v27, $0.0e+00;
	v50 =	vld.idx.msk [tilespmem:v23+s4+$0x0], $0xffff  }
0x2d7: {  	v53 =	vsub.f32 $9.854224920e-01, v16;
	v52 =	vadd.f32 $1.456289550e-02, v14;
	v55 =	vmax.f32 v24, $0.0e+00;
	v54 =	vld.idx.msk [tilespmem:v23+s25+$0x0], $0xffff  }
0x2d8: {  	v56 =	vadd.f32 $1.456289550e-02, v16;
	v58 =	vsub.f32 $9.854224920e-01, v19;
	v24 =	vmax.f32 v28, $0.0e+00;
	v57 =	vld.idx.msk [tilespmem:v23+s26+$0x0], $0xffff  }
0x2d9: {  	v60 =	vadd.f32 $1.456289550e-02, v19;
	v28 =	vsub.f32 $9.854224920e-01, v17;
	v22 =	vmax.f32 v20, $0.0e+00;
	v59 =	vld.idx.msk [tilespmem:v23+s28+$0x0], $0xffff  }
0x2da: {  	v16 =	vsub.f32 $9.854224920e-01, v18;
	v27 =	vadd.f32 $1.456289550e-02, v17;
	v17 =	vmax.f32 v41, $0.0e+00;
	v61 =	vld.idx.msk [tilespmem:v29+s4+$0x0], $0xffff  }
0x2db: {  	v18 =	vadd.f32 $1.456289550e-02, v18;
	v21 =	vmax.f32 v21, $0.0e+00;
	v20 =	vsub.f32 $9.854224920e-01, v33;
	v41 =	vld.idx.msk [tilespmem:v29+s25+$0x0], $0xffff  }
0x2dc: {  	v15 =	vmax.f32 v44, $0.0e+00;
	v14 =	vmax.f32 v47, $0.0e+00;
	v19 =	vadd.f32 $1.456289550e-02, v33;
	v62 =	vld.idx.msk [tilespmem:v29+s26+$0x0], $0xffff  }
0x2dd: {  	v23 =	vmul.f32 v45, v32;
	v32 =	vmul.f32 v48, v35;
	v44 =	vld.idx.msk [tilespmem:v29+s28+$0x0], $0xffff  }
0x2de: {  	v25 =	vmul.f32 v36, v25;
	v29 =	vmul.f32 v34, v30;
	v33 =	vld.idx.msk [tilespmem:v31+s4+$0x0], $0xffff  }
0x2df: {  	v30 =	vadd.f32 v32, v23;
	v23 =	vmul.f32 v49, v40;
	v34 =	vmul.f32 v52, v42;
	v36 =	vld.idx.msk [tilespmem:v31+s25+$0x0], $0xffff  }
.Ltmp10:
0x2e0: {  	v26 =	vmul.f32 v39, v26;
	v32 =	vadd.f32 v25, v29;
	v25 =	vmul.f32 v37, v38;
	v37 =	vld.idx.msk [tilespmem:v31+s26+$0x0], $0xffff;
	(pc) =	sbr.rel @p1 .LBB2_13-.Ltmp10, $4  }
0x2e1: {  	v23 =	vadd.f32 v34, v23;
	v29 =	vmul.f32 v53, v54;
	v34 =	vmul.f32 v56, v57;
	v35 =	vld.idx.msk [tilespmem:v31+s28+$0x0], $0xffff  }
0x2e2: {  	v42 =	vmul.f32 v46, v59;
	v38 =	vmul.f32 v43, v50;
	v26 =	vadd.f32 v26, v25;
	v31 =	vld.idx.msk [tilespmem:v13+s4+$0x0], $0xffff  }
0x2e3: {  	v39 =	vmul.f32 v58, v41;
	v25 =	vadd.f32 v34, v29;
	v40 =	vmul.f32 v60, v62;
	v34 =	vld.idx.msk [tilespmem:v13+s25+$0x0], $0xffff  }
0x2e4: {  	s11 =	sadd.s32 $0x80, s11;
	v41 =	vmul.f32 v51, v61;
	v29 =	vadd.f32 v42, v38;
	v42 =	vmul.f32 v55, v44;
	v38 =	vld.idx.msk [tilespmem:v13+s26+$0x0], $0xffff  }
0x2e5: {  	_ =	sdelay $0x2  }
0x2e6: {  	v28 =	vmul.f32 v28, v36  }
0x2e7: {  	v39 =	vadd.f32 v40, v39;
	v24 =	vmul.f32 v24, v33;
	v27 =	vmul.f32 v27, v37;
	v13 =	vld.idx.msk [tilespmem:v13+s28+$0x0], $0xffff  }
0x2e8: {  	v0 =	vmul.f32 v0, v9;
	v44 =	vadd.f32 v32, v30;
	v45 =	vld.idx.msk [tilespmem:v7+s4+$0x0], $0xffff;
	v1 =	vmul.f32 v1, v11  }
0x2e9: {  	v2 =	vmul.f32 v2, v12;
	v47 =	vld.idx.msk [tilespmem:v7+s25+$0x0], $0xffff;
	v4 =	vmul.f32 v4, v8;
	v52 =	vadd.f32 v26, v23  }
0x2ea: {  	v48 =	vld.idx.msk [tilespmem:v7+s26+$0x0], $0xffff;
	v3 =	vmul.f32 v3, v10;
	v43 =	vadd.f32 v42, v41;
	v53 =	vadd.f32 v29, v25  }
0x2eb: {  	v49 =	vld.idx.msk [tilespmem:v7+s28+$0x0], $0xffff;
	v22 =	vmul.f32 v22, v35;
	v46 =	vadd.f32 v27, v28;
	v0 =	vadd.f32 v0, v5  }
0x2ec: {  	v1 =	vadd.f32 v2, v1;
	v51 =	vmul.f32 v17, v31;
	v3 =	vadd.f32 v3, v4  }
0x2ed: {  	v22 =	vadd.f32 v22, v24;
	v16 =	vmul.f32 v16, v34;
	v54 =	vadd.f32 v43, v39  }
0x2ee: {  	[tilespmem:s9+$0xFFFFFFC0] =	vst v44;
	v18 =	vmul.f32 v18, v38;
	v0 =	vadd.f32 v0, v6;
	v55 =	vmul.f32 v21, v13  }
0x2ef: {  	[tilespmem:s9+$0xFFFFFFD0] =	vst v52;
	v1 =	vadd.f32 v3, v1;
	v57 =	vmul.f32 v20, v47;
	v58 =	vmul.f32 v19, v48  }
0x2f0: {  	[tilespmem:s9+$0xFFFFFFE0] =	vst v53;
	v56 =	vadd.f32 v22, v46;
	v59 =	vmul.f32 v15, v45;
	v5 =	vmul.f32 v14, v49  }
0x2f1: {  	[tilespmem:s9+$0xFFFFFFF0] =	vst v54;
	v50 =	vadd.f32 v18, v16;
	v60 =	vadd.f32 v55, v51  }
0x2f2: {  	[tilespmem:s15+$0x10] =	vst v0;
	v61 =	vadd.f32 v58, v57;
	v5 =	vadd.f32 v5, v59  }
0x2f3: {  	[tilespmem:s15+$0x20] =	vst v1;
	v62 =	vadd.f32 v60, v50  }
0x2f4: {  	[tilespmem:s9+$0x0] =	vst v56;
	v63 =	vadd.f32 v5, v61  }
0x2f5: {  	[tilespmem:s9+$0x10] =	vst v62  }
0x2f6: {  	[tilespmem:s9+$0x20] =	vst v63  }
.LBB2_15:
0x2f7: {  	v0 =	vld [tilespmem:s5+$0x0];
	_ =	sdelay $0x1  }
0x2f8: {  	v1 =	vld [tilespmem:s16+$0x0];
	_ =	sdelay $0x2  }
0x2f9: {  	v0 =	vmul.f32 $1.500000000e+01, v0;
	_ =	sdelay $0x1  }
0x2fa: {  	v1 =	vmul.f32 $9.999999380e+02, v1;
	v2 =	vtrunc.f32 v0  }
0x2fb: {  	v2 =	vcvt.f32.s32 v2  }
0x2fc: {  	v1 =	vtrunc.f32 v1  }
0x2fd: {  	v1 =	vcvt.f32.s32 v1;
	v3 =	vmul.u32 $0x3E8, v2;
	_ =	sdelay $0x1  }
0x2fe: {  	v1 =	vadd.s32 v1, v3;
	_ =	sdelay $0x2  }
0x2ff: {  	v2 =	vcvt.s32.f32 v2;
	_ =	sdelay $0x1  }
0x300: {  	v0 =	vsub.f32 v0, v2;
	v62 =	vld.idx.msk [tilespmem:v1+s4+$0x0], $0xffff  }
0x301: {  	v3 =	vld.idx.msk [tilespmem:v1+s25+$0x0], $0xffff  }
0x302: {  	v0 =	vmul.f32 $9.708597060e-01, v0;
	v4 =	vld.idx.msk [tilespmem:v1+s26+$0x0], $0xffff  }
0x303: {  	v1 =	vld.idx.msk [tilespmem:v1+s28+$0x0], $0xffff  }
0x304: {  	v5 =	vsub.f32 $9.854224920e-01, v0;
	v6 =	vsub.f32 $1.456289550e-02, v0  }
0x305: {  	v7 =	vadd.f32 $1.456289550e-02, v0;
	v0 =	vadd.f32 $-9.562968010e-01, v0  }
0x306: {  	v6 =	vmax.f32 v6, $0.0e+00  }
0x307: {  	v0 =	vmax.f32 v0, $0.0e+00;
	v3 =	vmul.f32 v5, v3;
	v4 =	vmul.f32 v7, v4  }
0x308: {  	s18 =	sadd.s32 $0x10, s18;
	v2 =	vmul.f32 v6, v62;
	v0 =	vmul.f32 v0, v1  }
0x309: {  	p1 =	slt.u32 s18, $0x230  }
.Ltmp11:
0x30a: {  	v63 =	vadd.f32 v4, v3;
	v0 =	vadd.f32 v0, v2;
	(pc) =	sbr.rel @p1 .LBB2_15-.Ltmp11, $3  }
0x30b: {  	_ = 	snop  }
0x30c: {  	v0 =	vadd.f32 v0, v63;
	_ =	sdelay $0x1  }
0x30d: {  	s5 =	sadd.s32 $0x10, s5;
	s16 =	sadd.s32 $0x10, s16;
	[tilespmem:s19+$0x0] =	vst v0;
	s19 =	sadd.s32 $0x10, s19  }
.Ltmp12:
0x30e: {  	s5 =	rddreg [dreg:$0xb];
	(pc) =	sbr.rel .LBB2_17-.Ltmp12, $4  }
0x30f: {  	[hbm4b:s5+s4] =	stream.linear.scatter [tilespmem:s29], [sflag:$0x8], $0x240, $0x38;
	[tilespmem:$0xA680] =	vst v63  }
0x310: {  	_ =	swait.ge [sflag:s8], $0x240  }
0x311: {  	[sflag:s8] =	ssyncset.done $0x0  }
0x312: {  	[sflag:s8] =	ssyncadd.s32 $0xFFFFFDC0  }
.LBB2_18:
0x313: {  	_ =	sfence.sel $0x180000  }
0x314: {  	[bflag:$0x0] =	sbarrier.arrive $0xFFFF  }
0x315: {  	_ =	strace $0x90000047  }
0x316: {  	s0 =	stileid.u32;
	[bflag:$0x2] =	sbarrier.arrive $0xFFFF  }
0x317: {  	p0 =	sne.s32 s0, $0x0;
	s0 =	rddreg [dreg:$0x4]  }
0x318: {  	s0 =	sadd.s32 @!p0 $0x100000, s0  }
0x319: {  	[sflag:s0] =	ssyncadd.tile.s32 @!p0 $0x1;
	_ =	shalt  }
.Lfunc_end2:
_tile_overlayer_lowered:
.L_overlay_start_2:
0x31a: {  	(tag) =	ssettag $0x2  }
0x31b: {  	s0 =	rddreg [dreg:$0x0];
	s2 =	stileid.u32  }
0x31c: {  	s1 =	rddreg [dreg:$0x1];
	p0 =	sne.s32 s2, $0x0  }
0x31d: {  	s3 =	rddreg [dreg:$0x2];
	[bflag:$0x3] =	sbarrier.arrive $0xFFFF;
	s2 =	simm.s32 @!p0 $0x1C08  }
0x31e: {  	[timem:s3], [sflag:s2] =	dma.local @!p0 [hbm:s0], s1  }
0x31f: {  	s0 =	simm.s32 @!p0 $0x8  }
0x320: {  	_ =	swait.ge @!p0 [sflag:s0], s1  }
0x321: {  	s1 =	ssub.s32 @!p0 $0x0, s1;
	[sflag:s0] =	ssyncset.done @!p0 $0x0  }
0x322: {  	[sflag:s0] =	ssyncadd.s32 @!p0 s1  }
0x323: {  	[bflag:$0x3] =	sbarrier.arrive $0xFFFF  }
0x324: {  	_ =	shalt  }

</sc_bundles>
